<compile_context>
chip_gen: v7x
topology: tpu7x:2x2x1
jax: 0.10.2.dev20260603
libtpu: 0.0.44.dev20260713+nightly
codegen_flags: <defaults>
</compile_context>

<pallas_src>
import functools

import numpy as np
import jax
import jax.numpy as jnp
from jax import lax
from jax.experimental import pallas as pl
from jax.experimental.pallas import tpu as pltpu
from jax.experimental.pallas import tpu_sc as plsc

NUM_RBF = 16
D_MIN, D_MAX = 2.0, 22.0
SIGMA = (D_MAX - D_MIN) / NUM_RBF

_PAIRS = [(0, 0), (2, 2), (3, 3), (4, 4), (1, 0), (1, 2), (1, 3), (1, 4),
          (0, 2), (0, 3), (0, 4), (4, 2), (4, 3), (3, 2), (0, 1), (2, 1),
          (3, 1), (4, 1), (2, 0), (3, 0), (4, 0), (2, 4), (3, 4), (2, 3)]

_BLOCK_OF_Q = np.zeros(25, np.int32)
for _p, (_a, _b) in enumerate(_PAIRS):
    _BLOCK_OF_Q[5 * _a + _b] = _p + 1
_BLOCK_OF_Q[6] = 0

_UA = np.zeros((16, 75), np.float32)
_UB = np.zeros((16, 75), np.float32)
_V3 = np.zeros((75, 25), np.float32)
for _q in range(25):
    _a, _b = _q // 5, _q % 5
    for _c in range(3):
        _UA[3 * _a + _c, 3 * _q + _c] = 1.0
        _UB[3 * _b + _c, 3 * _q + _c] = 1.0
        _V3[3 * _q + _c, _q] = 1.0

_MU = np.linspace(D_MIN, D_MAX, NUM_RBF).astype(np.float32)
_SEXP2 = np.zeros((25, 400), np.float32)
_MUS = np.zeros((1, 400), np.float32)
for _q in range(25):
    _blk = int(_BLOCK_OF_Q[_q])
    for _r in range(NUM_RBF):
        _SEXP2[_q, 16 * _blk + _r] = 1.0
for _blk in range(25):
    _MUS[0, 16 * _blk:16 * _blk + 16] = _MU
_INV_SIGMA = 1.0 / SIGMA


def _dense_body(self_ref, gath_ref, dn_ref, ua_ref, ub_ref, v3_ref,
                sexp_ref, mus_ref, w2_ref, pt_ref, gam_ref, bet_ref,
                out_ref):
    f32 = jnp.float32
    bf16 = jnp.bfloat16
    S = self_ref[...]
    N = gath_ref[...]
    dotb = functools.partial(jnp.dot, preferred_element_type=f32,
                             precision=lax.Precision.DEFAULT)

    def split_dot(x, m_ref):
        hi = x.astype(bf16)
        lo = (x - hi.astype(f32)).astype(bf16)
        return dotb(hi, m_ref[...]) + dotb(lo, m_ref[...])

    diff = split_dot(S, ua_ref) - split_dot(N, ub_ref)
    d2 = split_dot(diff * diff, v3_ref)
    dist = jnp.sqrt(d2 + 1e-06)

    T = dist.shape[0]
    lane25 = lax.broadcasted_iota(jnp.int32, (T, 25), 1)
    dn = jnp.broadcast_to(dn_ref[...], (T, 25))
    dfull = jnp.where(lane25 == 6, dn, dist)

    t = split_dot(dfull, sexp_ref)
    z = (t - mus_ref[...]) * _INV_SIGMA
    rbf = jnp.exp(-(z * z))
    e = dotb(rbf.astype(bf16), w2_ref[...])

    diffc = S[:, 15:16] - N[:, 15:16]
    offq = diffc * 0.25
    rem = diffc - 4.0 * jnp.floor(offq)
    d = jnp.where(rem == 0.0,
                  jnp.clip(offq + 32.0, 0.0, 64.0), 65.0)
    lane72 = lax.broadcasted_iota(jnp.int32, (T, 72), 1)
    onehot = (lane72 == d.astype(jnp.int32)).astype(bf16)
    e = e + dotb(onehot, pt_ref[...])

    mu = jnp.mean(e, axis=-1, keepdims=True)
    c = e - mu
    var = jnp.mean(c * c, axis=-1, keepdims=True)
    out_ref[...] = c * lax.rsqrt(var + 1e-05) * gam_ref[...] + bet_ref[...]


_TILE = 1024


def _dense_call(self_exp, gath, dn, w2p, pt, gamma, beta):
    M = self_exp.shape[0]
    grid = (M // _TILE,)
    consts = (jnp.asarray(_UA, dtype=jnp.bfloat16),
              jnp.asarray(_UB, dtype=jnp.bfloat16),
              jnp.asarray(_V3, dtype=jnp.bfloat16),
              jnp.asarray(_SEXP2, dtype=jnp.bfloat16), jnp.asarray(_MUS))
    edge = lambda i: (i, 0)
    full = lambda i: (0, 0)
    in_specs = [
        pl.BlockSpec((_TILE, 16), edge),
        pl.BlockSpec((_TILE, 16), edge),
        pl.BlockSpec((_TILE, 1), edge),
        pl.BlockSpec((16, 75), full),
        pl.BlockSpec((16, 75), full),
        pl.BlockSpec((75, 25), full),
        pl.BlockSpec((25, 400), full),
        pl.BlockSpec((1, 400), full),
        pl.BlockSpec((400, 128), full),
        pl.BlockSpec((72, 128), full),
        pl.BlockSpec((1, 128), full),
        pl.BlockSpec((1, 128), full),
    ]
    return pl.pallas_call(
        _dense_body,
        grid=grid,
        in_specs=in_specs,
        out_specs=pl.BlockSpec((_TILE, 128), edge),
        out_shape=jax.ShapeDtypeStruct((M, 128), jnp.float32),
    )(self_exp, gath, dn, *consts, w2p, pt, gamma, beta)



_NC, _NS = 2, 16
_NW = _NC * _NS
_CHUNK = 128


def _sc_gather(table, idx):
    M = idx.shape[0]
    per_w = M // _NW
    nch = per_w // _CHUNK
    idx3 = idx.reshape(_NW, nch, _CHUNK)
    mesh = plsc.VectorSubcoreMesh(core_axis_name="c", subcore_axis_name="s",
                                  num_cores=_NC, num_subcores=_NS)

    @functools.partial(
        pl.kernel,
        out_type=jax.ShapeDtypeStruct((M, 16), jnp.float32),
        mesh=mesh,
        compiler_params=pltpu.CompilerParams(use_tc_tiling_on_sc=False),
        scratch_types=[
            pltpu.VMEM((nch, _CHUNK), jnp.int32),
            pltpu.VMEM((per_w, 16), jnp.float32),
            pltpu.SemaphoreType.DMA,
        ],
    )
    def gather_k(table_hbm, idx_hbm, out_hbm, idx_v, rows_v, sem):
        wid = lax.axis_index("s") * _NC + lax.axis_index("c")
        pltpu.sync_copy(idx_hbm.at[wid], idx_v)
        for g in range(0, nch, 10):
            handles = [
                pltpu.async_copy(table_hbm.at[idx_v.at[c]],
                                 rows_v.at[pl.ds(c * _CHUNK, _CHUNK)], sem)
                for c in range(g, min(g + 10, nch))
            ]
            for h in handles:
                h.wait()
        pltpu.sync_copy(rows_v, out_hbm.at[pl.ds(wid * per_w, per_w)])

    return gather_k(table, idx3)


def _build_table(X, chain_idx):
    Nat = X[:, :, 0, :]
    Ca = X[:, :, 1, :]
    C = X[:, :, 2, :]
    O = X[:, :, 3, :]
    b = Ca - Nat
    c = C - Ca
    a = jnp.cross(b, c)
    Cb = -0.58273431 * a + 0.56802827 * b - 0.54067466 * c + Ca

    Bsz, L = chain_idx.shape
    change = jnp.concatenate(
        [jnp.zeros((Bsz, 1), dtype=jnp.int32),
         (chain_idx[:, 1:] != chain_idx[:, :-1]).astype(jnp.int32)], axis=1)
    rank = jnp.cumsum(change, axis=1)
    res = 100 * rank + jnp.arange(L, dtype=jnp.int32)[None, :]
    res = jnp.where(rank == rank[:, -1:], -100, res)
    combined = (4 * res + chain_idx.astype(jnp.int32)).astype(jnp.float32)

    return jnp.concatenate([Nat, Ca, C, O, Cb, combined[..., None]], axis=-1)


def kernel(X, chain_idx, mask, E_idx, D_neighbors,
           pos_W, pos_b, edge_W, ln_gamma, ln_beta):
    B, L, K = E_idx.shape
    M = B * L * K

    table = _build_table(X, chain_idx)
    table_flat = table.reshape(B * L, 16)
    idx_flat = (E_idx.astype(jnp.int32)
                + (jnp.arange(B, dtype=jnp.int32) * L)[:, None, None])
    gath = _sc_gather(table_flat, idx_flat.reshape(M))

    self_exp = jnp.broadcast_to(table[:, :, None, :], (B, L, K, 16))
    self_exp = self_exp.reshape(M, 16)
    dn = D_neighbors.reshape(M, 1)

    W1 = edge_W[:, :16]
    pt = (pos_W.T + pos_b[None, :]) @ W1.T
    pt = jnp.concatenate(
        [pt, jnp.zeros((6, 128), jnp.float32)], axis=0)
    pt = pt.astype(jnp.bfloat16)
    w2p = edge_W[:, 16:].T.astype(jnp.bfloat16)

    out = _dense_call(self_exp, gath, dn, w2p, pt,
                      ln_gamma.reshape(1, 128), ln_beta.reshape(1, 128))
    return out.reshape(B, L, K, 128)

# --- scband reference (transcript-rebuilt; emitter-appended) ---
"""Pipeline reference for scband-protein-mpnnfeatures-87514253623873 (READ-ONLY COPY).

The authoritative reference and input builder live on the scoring server;
editing this copy changes nothing except your own understanding.
"""

import jax, jax.numpy as jnp
import numpy as np

NUM_RBF = 16

def _rbf(D, D_max=22.0):
    D_min = 2.0
    D_mu = jnp.linspace(D_min, D_max, NUM_RBF)
    D_sigma = (D_max - D_min) / NUM_RBF
    return jnp.exp(-((D[..., None] - D_mu) / D_sigma) ** 2)

def gather_edges(edges, neighbor_idx):
    return jnp.take_along_axis(edges, neighbor_idx[..., None], axis=2)

def _get_rbf(A, B, E_idx):
    D = jnp.sqrt(jnp.sum((A[:, :, None, :] - B[:, None, :, :]) ** 2, -1) + 1e-06)
    D_n = gather_edges(D[..., None], E_idx)[..., 0]
    return _rbf(D_n)

def _residue_idx(chain_idx):
    Bsz, L = chain_idx.shape
    change = jnp.concatenate([jnp.zeros((Bsz, 1), dtype=jnp.int32), (chain_idx[:, 1:] != chain_idx[:, :-1]).astype(jnp.int32)], axis=1)
    rank = jnp.cumsum(change, axis=1)
    last = rank[:, -1:]
    pos = jnp.arange(L)[None, :]
    res = 100 * rank + pos
    res = jnp.where(rank == last, -100, res)
    return res.astype(jnp.float32)

def _forward(X, chain_idx, mask, E_idx, D_neighbors, pos_W, pos_b, edge_W, ln_gamma, ln_beta):
    b = X[:, :, 1, :] - X[:, :, 0, :]
    c = X[:, :, 2, :] - X[:, :, 1, :]
    a = jnp.cross(b, c)
    Cb = -0.58273431 * a + 0.56802827 * b - 0.54067466 * c + X[:, :, 1, :]
    Ca = X[:, :, 1, :]
    N = X[:, :, 0, :]
    C = X[:, :, 2, :]
    O = X[:, :, 3, :]
    RBF_all = [_rbf(D_neighbors)]
    pairs = [(N, N), (C, C), (O, O), (Cb, Cb), (Ca, N), (Ca, C), (Ca, O), (Ca, Cb), (N, C), (N, O), (N, Cb), (Cb, C), (Cb, O), (O, C), (N, Ca), (C, Ca), (O, Ca), (Cb, Ca), (C, N), (O, N), (Cb, N), (C, Cb), (O, Cb), (C, O)]
    for A, Bm in pairs:
        RBF_all.append(_get_rbf(A, Bm, E_idx))
    RBF_all = jnp.concatenate(RBF_all, axis=-1)
    residue_idx = _residue_idx(chain_idx)
    offset = residue_idx[:, :, None] - residue_idx[:, None, :]
    offset = gather_edges(offset[..., None], E_idx)[..., 0]
    d_chains = (chain_idx[:, :, None] == chain_idx[:, None, :]).astype(jnp.int32)
    E_chains = gather_edges(d_chains[..., None], E_idx)[..., 0]
    off_i = offset.astype(jnp.int32)
    d = jnp.clip(off_i + 32, 0, 64) * E_chains + (1 - E_chains) * 65
    d_onehot = jax.nn.one_hot(d, 66, dtype=jnp.float32)
    E_pos = d_onehot @ pos_W.T + pos_b
    E = jnp.concatenate([E_pos, RBF_all], axis=-1)
    E = E @ edge_W.T
    mu = jnp.mean(E, axis=-1, keepdims=True)
    var = jnp.var(E, axis=-1, keepdims=True)
    E = (E - mu) / jnp.sqrt(var + 1e-05) * ln_gamma + ln_beta
    return E

def setup_inputs(seed: int = 0):
    key = jax.random.key(seed)
    ks = jax.random.split(key, 6)
    B, L, K = 4, 1024, 30
    X = jax.random.normal(ks[0], (B, L, 4, 3), dtype=jnp.float32)
    chain_idx = jnp.sort(jax.random.randint(ks[1], (B, L), 0, 4), axis=-1)
    mask = jnp.ones((B, L), dtype=jnp.float32)
    E_idx = jax.random.randint(ks[2], (B, L, K), 0, L)
    D_neighbors = jax.random.uniform(ks[3], (B, L, K), dtype=jnp.float32)
    pos_W = jax.random.normal(ks[4], (16, 66), dtype=jnp.float32) * 0.1
    pos_b = jnp.zeros((16,), dtype=jnp.float32)
    edge_W = jax.random.normal(ks[5], (128, 416), dtype=jnp.float32) * 0.05
    ln_gamma = jnp.ones((128,), dtype=jnp.float32)
    ln_beta = jnp.zeros((128,), dtype=jnp.float32)
    return {"X": X, "chain_idx": chain_idx, "mask": mask, "E_idx": E_idx, "D_neighbors": D_neighbors, "pos_W": pos_W, "pos_b": pos_b, "edge_W": edge_W, "ln_gamma": ln_gamma, "ln_beta": ln_beta}

def reference(X, chain_idx, mask, E_idx, D_neighbors, pos_W, pos_b, edge_W, ln_gamma, ln_beta):
    return _forward(X, chain_idx, mask, E_idx, D_neighbors, pos_W, pos_b, edge_W, ln_gamma, ln_beta)

if __name__ == "__main__":
    import jax
    _d = setup_inputs()
    print(jax.jit(kernel)(*tuple(_d.values())))

</pallas_src>

<mosaic_0001>
#map = affine_map<(d0, d1) -> (0, 0)>
#map1 = affine_map<(d0, d1) -> (0, 0, 0)>
module attributes {stable_mosaic.version = 14 : i64} {
  func.func @gather_k(%arg0: i32, %arg1: i32, %arg2: memref<4096x16xf32, #tpu.memory_space<hbm>>, %arg3: memref<32x30x128xi32, #tpu.memory_space<hbm>>, %arg4: memref<122880x16xf32, #tpu.memory_space<hbm>>, %arg5: memref<30x128xi32, #tpu.memory_space<vmem>>, %arg6: memref<3840x16xf32, #tpu.memory_space<vmem>>, %arg7: memref<!tpu.dma_semaphore, #tpu.memory_space<semaphore_mem>>) attributes {dimension_semantics = [#tpu.dimension_semantics<core_parallel>, #tpu.dimension_semantics<subcore_parallel>], iteration_bounds = array<i64: 2, 16>, scalar_prefetch = 0 : i64, scratch_operands = 3 : i64, tpu.core_type = #tpu.core_type<sc_vector_subcore>, window_params = [{transform_indices = #map}, {transform_indices = #map1}, {transform_indices = #map}]} {
    %mul3A = arith.constant 2 : i32
    %mul3A_0 = arith.muli %arg1, %mul3A : i32
    %add3A = arith.addi %mul3A_0, %arg0 : i32
    "tpu.region"() ({
      %run_scoped3A = tpu.sem_alloc : memref<!tpu.dma_semaphore, #tpu.memory_space<semaphore_mem>>
      %dma_start3A_601 = arith.constant 0 : i32
      %dma_start3A_602 = arith.constant 0 : i32
      %dma_start3A_603 = tpu.memref_slice %arg3[%add3A, %dma_start3A_601, %dma_start3A_602] : memref<32x30x128xi32, #tpu.memory_space<hbm>> -> memref<1x30x128xi32, #tpu.memory_space<hbm>>
      %dma_start3A_604 = tpu.memref_squeeze %dma_start3A_603 : memref<1x30x128xi32, #tpu.memory_space<hbm>> -> memref<30x128xi32, #tpu.memory_space<hbm>>
      %dma_start3A_605 = arith.constant 0 : i32
      %dma_start3A_606 = arith.constant 0 : i32
      %dma_start3A_607 = tpu.memref_slice %arg3[%add3A, %dma_start3A_605, %dma_start3A_606] : memref<32x30x128xi32, #tpu.memory_space<hbm>> -> memref<1x30x128xi32, #tpu.memory_space<hbm>>
      %dma_start3A_608 = tpu.memref_squeeze %dma_start3A_607 : memref<1x30x128xi32, #tpu.memory_space<hbm>> -> memref<30x128xi32, #tpu.memory_space<hbm>>
      tpu.enqueue_dma source(%dma_start3A_608 : memref<30x128xi32, #tpu.memory_space<hbm>>) target(%arg5 : memref<30x128xi32, #tpu.memory_space<vmem>>) target_semaphore(%run_scoped3A : memref<!tpu.dma_semaphore, #tpu.memory_space<semaphore_mem>>)
      %dma_wait3A_609 = arith.constant 0 : i32
      %dma_wait3A_610 = arith.constant 0 : i32
      %dma_wait3A_611 = tpu.memref_slice %arg3[%add3A, %dma_wait3A_609, %dma_wait3A_610] : memref<32x30x128xi32, #tpu.memory_space<hbm>> -> memref<1x30x128xi32, #tpu.memory_space<hbm>>
      %dma_wait3A_612 = tpu.memref_squeeze %dma_wait3A_611 : memref<1x30x128xi32, #tpu.memory_space<hbm>> -> memref<30x128xi32, #tpu.memory_space<hbm>>
      %dma_wait3A_613 = arith.constant 0 : i32
      %dma_wait3A_614 = arith.constant 0 : i32
      %dma_wait3A_615 = tpu.memref_slice %arg3[%add3A, %dma_wait3A_613, %dma_wait3A_614] : memref<32x30x128xi32, #tpu.memory_space<hbm>> -> memref<1x30x128xi32, #tpu.memory_space<hbm>>
      %dma_wait3A_616 = tpu.memref_squeeze %dma_wait3A_615 : memref<1x30x128xi32, #tpu.memory_space<hbm>> -> memref<30x128xi32, #tpu.memory_space<hbm>>
      tpu.wait_dma2 semaphore(%run_scoped3A : memref<!tpu.dma_semaphore, #tpu.memory_space<semaphore_mem>>) src(%dma_wait3A_616 : memref<30x128xi32, #tpu.memory_space<hbm>>) dst(%arg5 : memref<30x128xi32, #tpu.memory_space<vmem>>)
      tpu.yield
    }) : () -> ()
    %dma_start3A = arith.constant 0 : i32
    %dma_start3A_1 = arith.constant 0 : i32
    %dma_start3A_2 = arith.constant 0 : i32
    %dma_start3A_3 = tpu.memref_slice %arg6[%dma_start3A_1, %dma_start3A_2] : memref<3840x16xf32, #tpu.memory_space<vmem>> -> memref<128x16xf32, #tpu.memory_space<vmem>>
    %dma_start3A_4 = arith.constant 0 : i32
    %dma_start3A_5 = tpu.memref_slice %arg5[%dma_start3A, %dma_start3A_4] : memref<30x128xi32, #tpu.memory_space<vmem>> -> memref<1x128xi32, #tpu.memory_space<vmem>>
    %dma_start3A_6 = tpu.memref_squeeze %dma_start3A_5 : memref<1x128xi32, #tpu.memory_space<vmem>> -> memref<128xi32, #tpu.memory_space<vmem>>
    %dma_start3A_7 = arith.constant 0 : i32
    %dma_start3A_8 = arith.constant 0 : i32
    %dma_start3A_9 = tpu.memref_slice %arg2[%dma_start3A_7, %dma_start3A_8] : memref<4096x16xf32, #tpu.memory_space<hbm>> -> memref<4096x16xf32, #tpu.memory_space<hbm>>
    tpu.enqueue_indirect_dma source(%dma_start3A_9 : memref<4096x16xf32, #tpu.memory_space<hbm>>) target(%dma_start3A_3 : memref<128x16xf32, #tpu.memory_space<vmem>>) offsets(%dma_start3A_6 : memref<128xi32, #tpu.memory_space<vmem>>) semaphore(%arg7 : memref<!tpu.dma_semaphore, #tpu.memory_space<semaphore_mem>>)
    %dma_start3A_10 = arith.constant 1 : i32
    %dma_start3A_11 = arith.constant 128 : i32
    %dma_start3A_12 = arith.constant 0 : i32
    %dma_start3A_13 = tpu.memref_slice %arg6[%dma_start3A_11, %dma_start3A_12] : memref<3840x16xf32, #tpu.memory_space<vmem>> -> memref<128x16xf32, #tpu.memory_space<vmem>>
    %dma_start3A_14 = arith.constant 0 : i32
    %dma_start3A_15 = tpu.memref_slice %arg5[%dma_start3A_10, %dma_start3A_14] : memref<30x128xi32, #tpu.memory_space<vmem>> -> memref<1x128xi32, #tpu.memory_space<vmem>>
    %dma_start3A_16 = tpu.memref_squeeze %dma_start3A_15 : memref<1x128xi32, #tpu.memory_space<vmem>> -> memref<128xi32, #tpu.memory_space<vmem>>
    %dma_start3A_17 = arith.constant 0 : i32
    %dma_start3A_18 = arith.constant 0 : i32
    %dma_start3A_19 = tpu.memref_slice %arg2[%dma_start3A_17, %dma_start3A_18] : memref<4096x16xf32, #tpu.memory_space<hbm>> -> memref<4096x16xf32, #tpu.memory_space<hbm>>
    tpu.enqueue_indirect_dma source(%dma_start3A_19 : memref<4096x16xf32, #tpu.memory_space<hbm>>) target(%dma_start3A_13 : memref<128x16xf32, #tpu.memory_space<vmem>>) offsets(%dma_start3A_16 : memref<128xi32, #tpu.memory_space<vmem>>) semaphore(%arg7 : memref<!tpu.dma_semaphore, #tpu.memory_space<semaphore_mem>>)
    %dma_start3A_20 = arith.constant 2 : i32
    %dma_start3A_21 = arith.constant 256 : i32
    %dma_start3A_22 = arith.constant 0 : i32
    %dma_start3A_23 = tpu.memref_slice %arg6[%dma_start3A_21, %dma_start3A_22] : memref<3840x16xf32, #tpu.memory_space<vmem>> -> memref<128x16xf32, #tpu.memory_space<vmem>>
    %dma_start3A_24 = arith.constant 0 : i32
    %dma_start3A_25 = tpu.memref_slice %arg5[%dma_start3A_20, %dma_start3A_24] : memref<30x128xi32, #tpu.memory_space<vmem>> -> memref<1x128xi32, #tpu.memory_space<vmem>>
    %dma_start3A_26 = tpu.memref_squeeze %dma_start3A_25 : memref<1x128xi32, #tpu.memory_space<vmem>> -> memref<128xi32, #tpu.memory_space<vmem>>
    %dma_start3A_27 = arith.constant 0 : i32
    %dma_start3A_28 = arith.constant 0 : i32
    %dma_start3A_29 = tpu.memref_slice %arg2[%dma_start3A_27, %dma_start3A_28] : memref<4096x16xf32, #tpu.memory_space<hbm>> -> memref<4096x16xf32, #tpu.memory_space<hbm>>
    tpu.enqueue_indirect_dma source(%dma_start3A_29 : memref<4096x16xf32, #tpu.memory_space<hbm>>) target(%dma_start3A_23 : memref<128x16xf32, #tpu.memory_space<vmem>>) offsets(%dma_start3A_26 : memref<128xi32, #tpu.memory_space<vmem>>) semaphore(%arg7 : memref<!tpu.dma_semaphore, #tpu.memory_space<semaphore_mem>>)
    %dma_start3A_30 = arith.constant 3 : i32
    %dma_start3A_31 = arith.constant 384 : i32
    %dma_start3A_32 = arith.constant 0 : i32
    %dma_start3A_33 = tpu.memref_slice %arg6[%dma_start3A_31, %dma_start3A_32] : memref<3840x16xf32, #tpu.memory_space<vmem>> -> memref<128x16xf32, #tpu.memory_space<vmem>>
    %dma_start3A_34 = arith.constant 0 : i32
    %dma_start3A_35 = tpu.memref_slice %arg5[%dma_start3A_30, %dma_start3A_34] : memref<30x128xi32, #tpu.memory_space<vmem>> -> memref<1x128xi32, #tpu.memory_space<vmem>>
    %dma_start3A_36 = tpu.memref_squeeze %dma_start3A_35 : memref<1x128xi32, #tpu.memory_space<vmem>> -> memref<128xi32, #tpu.memory_space<vmem>>
    %dma_start3A_37 = arith.constant 0 : i32
    %dma_start3A_38 = arith.constant 0 : i32
    %dma_start3A_39 = tpu.memref_slice %arg2[%dma_start3A_37, %dma_start3A_38] : memref<4096x16xf32, #tpu.memory_space<hbm>> -> memref<4096x16xf32, #tpu.memory_space<hbm>>
    tpu.enqueue_indirect_dma source(%dma_start3A_39 : memref<4096x16xf32, #tpu.memory_space<hbm>>) target(%dma_start3A_33 : memref<128x16xf32, #tpu.memory_space<vmem>>) offsets(%dma_start3A_36 : memref<128xi32, #tpu.memory_space<vmem>>) semaphore(%arg7 : memref<!tpu.dma_semaphore, #tpu.memory_space<semaphore_mem>>)
    %dma_start3A_40 = arith.constant 4 : i32
    %dma_start3A_41 = arith.constant 512 : i32
    %dma_start3A_42 = arith.constant 0 : i32
    %dma_start3A_43 = tpu.memref_slice %arg6[%dma_start3A_41, %dma_start3A_42] : memref<3840x16xf32, #tpu.memory_space<vmem>> -> memref<128x16xf32, #tpu.memory_space<vmem>>
    %dma_start3A_44 = arith.constant 0 : i32
    %dma_start3A_45 = tpu.memref_slice %arg5[%dma_start3A_40, %dma_start3A_44] : memref<30x128xi32, #tpu.memory_space<vmem>> -> memref<1x128xi32, #tpu.memory_space<vmem>>
    %dma_start3A_46 = tpu.memref_squeeze %dma_start3A_45 : memref<1x128xi32, #tpu.memory_space<vmem>> -> memref<128xi32, #tpu.memory_space<vmem>>
    %dma_start3A_47 = arith.constant 0 : i32
    %dma_start3A_48 = arith.constant 0 : i32
    %dma_start3A_49 = tpu.memref_slice %arg2[%dma_start3A_47, %dma_start3A_48] : memref<4096x16xf32, #tpu.memory_space<hbm>> -> memref<4096x16xf32, #tpu.memory_space<hbm>>
    tpu.enqueue_indirect_dma source(%dma_start3A_49 : memref<4096x16xf32, #tpu.memory_space<hbm>>) target(%dma_start3A_43 : memref<128x16xf32, #tpu.memory_space<vmem>>) offsets(%dma_start3A_46 : memref<128xi32, #tpu.memory_space<vmem>>) semaphore(%arg7 : memref<!tpu.dma_semaphore, #tpu.memory_space<semaphore_mem>>)
    %dma_start3A_50 = arith.constant 5 : i32
    %dma_start3A_51 = arith.constant 640 : i32
    %dma_start3A_52 = arith.constant 0 : i32
    %dma_start3A_53 = tpu.memref_slice %arg6[%dma_start3A_51, %dma_start3A_52] : memref<3840x16xf32, #tpu.memory_space<vmem>> -> memref<128x16xf32, #tpu.memory_space<vmem>>
    %dma_start3A_54 = arith.constant 0 : i32
    %dma_start3A_55 = tpu.memref_slice %arg5[%dma_start3A_50, %dma_start3A_54] : memref<30x128xi32, #tpu.memory_space<vmem>> -> memref<1x128xi32, #tpu.memory_space<vmem>>
    %dma_start3A_56 = tpu.memref_squeeze %dma_start3A_55 : memref<1x128xi32, #tpu.memory_space<vmem>> -> memref<128xi32, #tpu.memory_space<vmem>>
    %dma_start3A_57 = arith.constant 0 : i32
    %dma_start3A_58 = arith.constant 0 : i32
    %dma_start3A_59 = tpu.memref_slice %arg2[%dma_start3A_57, %dma_start3A_58] : memref<4096x16xf32, #tpu.memory_space<hbm>> -> memref<4096x16xf32, #tpu.memory_space<hbm>>
    tpu.enqueue_indirect_dma source(%dma_start3A_59 : memref<4096x16xf32, #tpu.memory_space<hbm>>) target(%dma_start3A_53 : memref<128x16xf32, #tpu.memory_space<vmem>>) offsets(%dma_start3A_56 : memref<128xi32, #tpu.memory_space<vmem>>) semaphore(%arg7 : memref<!tpu.dma_semaphore, #tpu.memory_space<semaphore_mem>>)
    %dma_start3A_60 = arith.constant 6 : i32
    %dma_start3A_61 = arith.constant 768 : i32
    %dma_start3A_62 = arith.constant 0 : i32
    %dma_start3A_63 = tpu.memref_slice %arg6[%dma_start3A_61, %dma_start3A_62] : memref<3840x16xf32, #tpu.memory_space<vmem>> -> memref<128x16xf32, #tpu.memory_space<vmem>>
    %dma_start3A_64 = arith.constant 0 : i32
    %dma_start3A_65 = tpu.memref_slice %arg5[%dma_start3A_60, %dma_start3A_64] : memref<30x128xi32, #tpu.memory_space<vmem>> -> memref<1x128xi32, #tpu.memory_space<vmem>>
    %dma_start3A_66 = tpu.memref_squeeze %dma_start3A_65 : memref<1x128xi32, #tpu.memory_space<vmem>> -> memref<128xi32, #tpu.memory_space<vmem>>
    %dma_start3A_67 = arith.constant 0 : i32
    %dma_start3A_68 = arith.constant 0 : i32
    %dma_start3A_69 = tpu.memref_slice %arg2[%dma_start3A_67, %dma_start3A_68] : memref<4096x16xf32, #tpu.memory_space<hbm>> -> memref<4096x16xf32, #tpu.memory_space<hbm>>
    tpu.enqueue_indirect_dma source(%dma_start3A_69 : memref<4096x16xf32, #tpu.memory_space<hbm>>) target(%dma_start3A_63 : memref<128x16xf32, #tpu.memory_space<vmem>>) offsets(%dma_start3A_66 : memref<128xi32, #tpu.memory_space<vmem>>) semaphore(%arg7 : memref<!tpu.dma_semaphore, #tpu.memory_space<semaphore_mem>>)
    %dma_start3A_70 = arith.constant 7 : i32
    %dma_start3A_71 = arith.constant 896 : i32
    %dma_start3A_72 = arith.constant 0 : i32
    %dma_start3A_73 = tpu.memref_slice %arg6[%dma_start3A_71, %dma_start3A_72] : memref<3840x16xf32, #tpu.memory_space<vmem>> -> memref<128x16xf32, #tpu.memory_space<vmem>>
    %dma_start3A_74 = arith.constant 0 : i32
    %dma_start3A_75 = tpu.memref_slice %arg5[%dma_start3A_70, %dma_start3A_74] : memref<30x128xi32, #tpu.memory_space<vmem>> -> memref<1x128xi32, #tpu.memory_space<vmem>>
    %dma_start3A_76 = tpu.memref_squeeze %dma_start3A_75 : memref<1x128xi32, #tpu.memory_space<vmem>> -> memref<128xi32, #tpu.memory_space<vmem>>
    %dma_start3A_77 = arith.constant 0 : i32
    %dma_start3A_78 = arith.constant 0 : i32
    %dma_start3A_79 = tpu.memref_slice %arg2[%dma_start3A_77, %dma_start3A_78] : memref<4096x16xf32, #tpu.memory_space<hbm>> -> memref<4096x16xf32, #tpu.memory_space<hbm>>
    tpu.enqueue_indirect_dma source(%dma_start3A_79 : memref<4096x16xf32, #tpu.memory_space<hbm>>) target(%dma_start3A_73 : memref<128x16xf32, #tpu.memory_space<vmem>>) offsets(%dma_start3A_76 : memref<128xi32, #tpu.memory_space<vmem>>) semaphore(%arg7 : memref<!tpu.dma_semaphore, #tpu.memory_space<semaphore_mem>>)
    %dma_start3A_80 = arith.constant 8 : i32
    %dma_start3A_81 = arith.constant 1024 : i32
    %dma_start3A_82 = arith.constant 0 : i32
    %dma_start3A_83 = tpu.memref_slice %arg6[%dma_start3A_81, %dma_start3A_82] : memref<3840x16xf32, #tpu.memory_space<vmem>> -> memref<128x16xf32, #tpu.memory_space<vmem>>
    %dma_start3A_84 = arith.constant 0 : i32
    %dma_start3A_85 = tpu.memref_slice %arg5[%dma_start3A_80, %dma_start3A_84] : memref<30x128xi32, #tpu.memory_space<vmem>> -> memref<1x128xi32, #tpu.memory_space<vmem>>
    %dma_start3A_86 = tpu.memref_squeeze %dma_start3A_85 : memref<1x128xi32, #tpu.memory_space<vmem>> -> memref<128xi32, #tpu.memory_space<vmem>>
    %dma_start3A_87 = arith.constant 0 : i32
    %dma_start3A_88 = arith.constant 0 : i32
    %dma_start3A_89 = tpu.memref_slice %arg2[%dma_start3A_87, %dma_start3A_88] : memref<4096x16xf32, #tpu.memory_space<hbm>> -> memref<4096x16xf32, #tpu.memory_space<hbm>>
    tpu.enqueue_indirect_dma source(%dma_start3A_89 : memref<4096x16xf32, #tpu.memory_space<hbm>>) target(%dma_start3A_83 : memref<128x16xf32, #tpu.memory_space<vmem>>) offsets(%dma_start3A_86 : memref<128xi32, #tpu.memory_space<vmem>>) semaphore(%arg7 : memref<!tpu.dma_semaphore, #tpu.memory_space<semaphore_mem>>)
    %dma_start3A_90 = arith.constant 9 : i32
    %dma_start3A_91 = arith.constant 1152 : i32
    %dma_start3A_92 = arith.constant 0 : i32
    %dma_start3A_93 = tpu.memref_slice %arg6[%dma_start3A_91, %dma_start3A_92] : memref<3840x16xf32, #tpu.memory_space<vmem>> -> memref<128x16xf32, #tpu.memory_space<vmem>>
    %dma_start3A_94 = arith.constant 0 : i32
    %dma_start3A_95 = tpu.memref_slice %arg5[%dma_start3A_90, %dma_start3A_94] : memref<30x128xi32, #tpu.memory_space<vmem>> -> memref<1x128xi32, #tpu.memory_space<vmem>>
    %dma_start3A_96 = tpu.memref_squeeze %dma_start3A_95 : memref<1x128xi32, #tpu.memory_space<vmem>> -> memref<128xi32, #tpu.memory_space<vmem>>
    %dma_start3A_97 = arith.constant 0 : i32
    %dma_start3A_98 = arith.constant 0 : i32
    %dma_start3A_99 = tpu.memref_slice %arg2[%dma_start3A_97, %dma_start3A_98] : memref<4096x16xf32, #tpu.memory_space<hbm>> -> memref<4096x16xf32, #tpu.memory_space<hbm>>
    tpu.enqueue_indirect_dma source(%dma_start3A_99 : memref<4096x16xf32, #tpu.memory_space<hbm>>) target(%dma_start3A_93 : memref<128x16xf32, #tpu.memory_space<vmem>>) offsets(%dma_start3A_96 : memref<128xi32, #tpu.memory_space<vmem>>) semaphore(%arg7 : memref<!tpu.dma_semaphore, #tpu.memory_space<semaphore_mem>>)
    %dma_wait3A = arith.constant 0 : i32
    %dma_wait3A_100 = arith.constant 0 : i32
    %dma_wait3A_101 = arith.constant 0 : i32
    %dma_wait3A_102 = tpu.memref_slice %arg6[%dma_wait3A_100, %dma_wait3A_101] : memref<3840x16xf32, #tpu.memory_space<vmem>> -> memref<128x16xf32, #tpu.memory_space<vmem>>
    %dma_wait3A_103 = arith.constant 0 : i32
    %dma_wait3A_104 = tpu.memref_slice %arg5[%dma_wait3A, %dma_wait3A_103] : memref<30x128xi32, #tpu.memory_space<vmem>> -> memref<1x128xi32, #tpu.memory_space<vmem>>
    %dma_wait3A_105 = tpu.memref_squeeze %dma_wait3A_104 : memref<1x128xi32, #tpu.memory_space<vmem>> -> memref<128xi32, #tpu.memory_space<vmem>>
    %dma_wait3A_106 = arith.constant 0 : i32
    %dma_wait3A_107 = arith.constant 0 : i32
    %dma_wait3A_108 = tpu.memref_slice %arg2[%dma_wait3A_106, %dma_wait3A_107] : memref<4096x16xf32, #tpu.memory_space<hbm>> -> memref<4096x16xf32, #tpu.memory_space<hbm>>
    tpu.wait_indirect_dma semaphore(%arg7 : memref<!tpu.dma_semaphore, #tpu.memory_space<semaphore_mem>>) src(%dma_wait3A_108 : memref<4096x16xf32, #tpu.memory_space<hbm>>) dst(%dma_wait3A_102 : memref<128x16xf32, #tpu.memory_space<vmem>>)
    %dma_wait3A_109 = arith.constant 1 : i32
    %dma_wait3A_110 = arith.constant 128 : i32
    %dma_wait3A_111 = arith.constant 0 : i32
    %dma_wait3A_112 = tpu.memref_slice %arg6[%dma_wait3A_110, %dma_wait3A_111] : memref<3840x16xf32, #tpu.memory_space<vmem>> -> memref<128x16xf32, #tpu.memory_space<vmem>>
    %dma_wait3A_113 = arith.constant 0 : i32
    %dma_wait3A_114 = tpu.memref_slice %arg5[%dma_wait3A_109, %dma_wait3A_113] : memref<30x128xi32, #tpu.memory_space<vmem>> -> memref<1x128xi32, #tpu.memory_space<vmem>>
    %dma_wait3A_115 = tpu.memref_squeeze %dma_wait3A_114 : memref<1x128xi32, #tpu.memory_space<vmem>> -> memref<128xi32, #tpu.memory_space<vmem>>
    %dma_wait3A_116 = arith.constant 0 : i32
    %dma_wait3A_117 = arith.constant 0 : i32
    %dma_wait3A_118 = tpu.memref_slice %arg2[%dma_wait3A_116, %dma_wait3A_117] : memref<4096x16xf32, #tpu.memory_space<hbm>> -> memref<4096x16xf32, #tpu.memory_space<hbm>>
    tpu.wait_indirect_dma semaphore(%arg7 : memref<!tpu.dma_semaphore, #tpu.memory_space<semaphore_mem>>) src(%dma_wait3A_118 : memref<4096x16xf32, #tpu.memory_space<hbm>>) dst(%dma_wait3A_112 : memref<128x16xf32, #tpu.memory_space<vmem>>)
    %dma_wait3A_119 = arith.constant 2 : i32
    %dma_wait3A_120 = arith.constant 256 : i32
    %dma_wait3A_121 = arith.constant 0 : i32
    %dma_wait3A_122 = tpu.memref_slice %arg6[%dma_wait3A_120, %dma_wait3A_121] : memref<3840x16xf32, #tpu.memory_space<vmem>> -> memref<128x16xf32, #tpu.memory_space<vmem>>
    %dma_wait3A_123 = arith.constant 0 : i32
    %dma_wait3A_124 = tpu.memref_slice %arg5[%dma_wait3A_119, %dma_wait3A_123] : memref<30x128xi32, #tpu.memory_space<vmem>> -> memref<1x128xi32, #tpu.memory_space<vmem>>
    %dma_wait3A_125 = tpu.memref_squeeze %dma_wait3A_124 : memref<1x128xi32, #tpu.memory_space<vmem>> -> memref<128xi32, #tpu.memory_space<vmem>>
    %dma_wait3A_126 = arith.constant 0 : i32
    %dma_wait3A_127 = arith.constant 0 : i32
    %dma_wait3A_128 = tpu.memref_slice %arg2[%dma_wait3A_126, %dma_wait3A_127] : memref<4096x16xf32, #tpu.memory_space<hbm>> -> memref<4096x16xf32, #tpu.memory_space<hbm>>
    tpu.wait_indirect_dma semaphore(%arg7 : memref<!tpu.dma_semaphore, #tpu.memory_space<semaphore_mem>>) src(%dma_wait3A_128 : memref<4096x16xf32, #tpu.memory_space<hbm>>) dst(%dma_wait3A_122 : memref<128x16xf32, #tpu.memory_space<vmem>>)
    %dma_wait3A_129 = arith.constant 3 : i32
    %dma_wait3A_130 = arith.constant 384 : i32
    %dma_wait3A_131 = arith.constant 0 : i32
    %dma_wait3A_132 = tpu.memref_slice %arg6[%dma_wait3A_130, %dma_wait3A_131] : memref<3840x16xf32, #tpu.memory_space<vmem>> -> memref<128x16xf32, #tpu.memory_space<vmem>>
    %dma_wait3A_133 = arith.constant 0 : i32
    %dma_wait3A_134 = tpu.memref_slice %arg5[%dma_wait3A_129, %dma_wait3A_133] : memref<30x128xi32, #tpu.memory_space<vmem>> -> memref<1x128xi32, #tpu.memory_space<vmem>>
    %dma_wait3A_135 = tpu.memref_squeeze %dma_wait3A_134 : memref<1x128xi32, #tpu.memory_space<vmem>> -> memref<128xi32, #tpu.memory_space<vmem>>
    %dma_wait3A_136 = arith.constant 0 : i32
    %dma_wait3A_137 = arith.constant 0 : i32
    %dma_wait3A_138 = tpu.memref_slice %arg2[%dma_wait3A_136, %dma_wait3A_137] : memref<4096x16xf32, #tpu.memory_space<hbm>> -> memref<4096x16xf32, #tpu.memory_space<hbm>>
    tpu.wait_indirect_dma semaphore(%arg7 : memref<!tpu.dma_semaphore, #tpu.memory_space<semaphore_mem>>) src(%dma_wait3A_138 : memref<4096x16xf32, #tpu.memory_space<hbm>>) dst(%dma_wait3A_132 : memref<128x16xf32, #tpu.memory_space<vmem>>)
    %dma_wait3A_139 = arith.constant 4 : i32
    %dma_wait3A_140 = arith.constant 512 : i32
    %dma_wait3A_141 = arith.constant 0 : i32
    %dma_wait3A_142 = tpu.memref_slice %arg6[%dma_wait3A_140, %dma_wait3A_141] : memref<3840x16xf32, #tpu.memory_space<vmem>> -> memref<128x16xf32, #tpu.memory_space<vmem>>
    %dma_wait3A_143 = arith.constant 0 : i32
    %dma_wait3A_144 = tpu.memref_slice %arg5[%dma_wait3A_139, %dma_wait3A_143] : memref<30x128xi32, #tpu.memory_space<vmem>> -> memref<1x128xi32, #tpu.memory_space<vmem>>
    %dma_wait3A_145 = tpu.memref_squeeze %dma_wait3A_144 : memref<1x128xi32, #tpu.memory_space<vmem>> -> memref<128xi32, #tpu.memory_space<vmem>>
    %dma_wait3A_146 = arith.constant 0 : i32
    %dma_wait3A_147 = arith.constant 0 : i32
    %dma_wait3A_148 = tpu.memref_slice %arg2[%dma_wait3A_146, %dma_wait3A_147] : memref<4096x16xf32, #tpu.memory_space<hbm>> -> memref<4096x16xf32, #tpu.memory_space<hbm>>
    tpu.wait_indirect_dma semaphore(%arg7 : memref<!tpu.dma_semaphore, #tpu.memory_space<semaphore_mem>>) src(%dma_wait3A_148 : memref<4096x16xf32, #tpu.memory_space<hbm>>) dst(%dma_wait3A_142 : memref<128x16xf32, #tpu.memory_space<vmem>>)
    %dma_wait3A_149 = arith.constant 5 : i32
    %dma_wait3A_150 = arith.constant 640 : i32
    %dma_wait3A_151 = arith.constant 0 : i32
    %dma_wait3A_152 = tpu.memref_slice %arg6[%dma_wait3A_150, %dma_wait3A_151] : memref<3840x16xf32, #tpu.memory_space<vmem>> -> memref<128x16xf32, #tpu.memory_space<vmem>>
    %dma_wait3A_153 = arith.constant 0 : i32
    %dma_wait3A_154 = tpu.memref_slice %arg5[%dma_wait3A_149, %dma_wait3A_153] : memref<30x128xi32, #tpu.memory_space<vmem>> -> memref<1x128xi32, #tpu.memory_space<vmem>>
    %dma_wait3A_155 = tpu.memref_squeeze %dma_wait3A_154 : memref<1x128xi32, #tpu.memory_space<vmem>> -> memref<128xi32, #tpu.memory_space<vmem>>
    %dma_wait3A_156 = arith.constant 0 : i32
    %dma_wait3A_157 = arith.constant 0 : i32
    %dma_wait3A_158 = tpu.memref_slice %arg2[%dma_wait3A_156, %dma_wait3A_157] : memref<4096x16xf32, #tpu.memory_space<hbm>> -> memref<4096x16xf32, #tpu.memory_space<hbm>>
    tpu.wait_indirect_dma semaphore(%arg7 : memref<!tpu.dma_semaphore, #tpu.memory_space<semaphore_mem>>) src(%dma_wait3A_158 : memref<4096x16xf32, #tpu.memory_space<hbm>>) dst(%dma_wait3A_152 : memref<128x16xf32, #tpu.memory_space<vmem>>)
    %dma_wait3A_159 = arith.constant 6 : i32
    %dma_wait3A_160 = arith.constant 768 : i32
    %dma_wait3A_161 = arith.constant 0 : i32
    %dma_wait3A_162 = tpu.memref_slice %arg6[%dma_wait3A_160, %dma_wait3A_161] : memref<3840x16xf32, #tpu.memory_space<vmem>> -> memref<128x16xf32, #tpu.memory_space<vmem>>
    %dma_wait3A_163 = arith.constant 0 : i32
    %dma_wait3A_164 = tpu.memref_slice %arg5[%dma_wait3A_159, %dma_wait3A_163] : memref<30x128xi32, #tpu.memory_space<vmem>> -> memref<1x128xi32, #tpu.memory_space<vmem>>
    %dma_wait3A_165 = tpu.memref_squeeze %dma_wait3A_164 : memref<1x128xi32, #tpu.memory_space<vmem>> -> memref<128xi32, #tpu.memory_space<vmem>>
    %dma_wait3A_166 = arith.constant 0 : i32
    %dma_wait3A_167 = arith.constant 0 : i32
    %dma_wait3A_168 = tpu.memref_slice %arg2[%dma_wait3A_166, %dma_wait3A_167] : memref<4096x16xf32, #tpu.memory_space<hbm>> -> memref<4096x16xf32, #tpu.memory_space<hbm>>
    tpu.wait_indirect_dma semaphore(%arg7 : memref<!tpu.dma_semaphore, #tpu.memory_space<semaphore_mem>>) src(%dma_wait3A_168 : memref<4096x16xf32, #tpu.memory_space<hbm>>) dst(%dma_wait3A_162 : memref<128x16xf32, #tpu.memory_space<vmem>>)
    %dma_wait3A_169 = arith.constant 7 : i32
    %dma_wait3A_170 = arith.constant 896 : i32
    %dma_wait3A_171 = arith.constant 0 : i32
    %dma_wait3A_172 = tpu.memref_slice %arg6[%dma_wait3A_170, %dma_wait3A_171] : memref<3840x16xf32, #tpu.memory_space<vmem>> -> memref<128x16xf32, #tpu.memory_space<vmem>>
    %dma_wait3A_173 = arith.constant 0 : i32
    %dma_wait3A_174 = tpu.memref_slice %arg5[%dma_wait3A_169, %dma_wait3A_173] : memref<30x128xi32, #tpu.memory_space<vmem>> -> memref<1x128xi32, #tpu.memory_space<vmem>>
    %dma_wait3A_175 = tpu.memref_squeeze %dma_wait3A_174 : memref<1x128xi32, #tpu.memory_space<vmem>> -> memref<128xi32, #tpu.memory_space<vmem>>
    %dma_wait3A_176 = arith.constant 0 : i32
    %dma_wait3A_177 = arith.constant 0 : i32
    %dma_wait3A_178 = tpu.memref_slice %arg2[%dma_wait3A_176, %dma_wait3A_177] : memref<4096x16xf32, #tpu.memory_space<hbm>> -> memref<4096x16xf32, #tpu.memory_space<hbm>>
    tpu.wait_indirect_dma semaphore(%arg7 : memref<!tpu.dma_semaphore, #tpu.memory_space<semaphore_mem>>) src(%dma_wait3A_178 : memref<4096x16xf32, #tpu.memory_space<hbm>>) dst(%dma_wait3A_172 : memref<128x16xf32, #tpu.memory_space<vmem>>)
    %dma_wait3A_179 = arith.constant 8 : i32
    %dma_wait3A_180 = arith.constant 1024 : i32
    %dma_wait3A_181 = arith.constant 0 : i32
    %dma_wait3A_182 = tpu.memref_slice %arg6[%dma_wait3A_180, %dma_wait3A_181] : memref<3840x16xf32, #tpu.memory_space<vmem>> -> memref<128x16xf32, #tpu.memory_space<vmem>>
    %dma_wait3A_183 = arith.constant 0 : i32
    %dma_wait3A_184 = tpu.memref_slice %arg5[%dma_wait3A_179, %dma_wait3A_183] : memref<30x128xi32, #tpu.memory_space<vmem>> -> memref<1x128xi32, #tpu.memory_space<vmem>>
    %dma_wait3A_185 = tpu.memref_squeeze %dma_wait3A_184 : memref<1x128xi32, #tpu.memory_space<vmem>> -> memref<128xi32, #tpu.memory_space<vmem>>
    %dma_wait3A_186 = arith.constant 0 : i32
    %dma_wait3A_187 = arith.constant 0 : i32
    %dma_wait3A_188 = tpu.memref_slice %arg2[%dma_wait3A_186, %dma_wait3A_187] : memref<4096x16xf32, #tpu.memory_space<hbm>> -> memref<4096x16xf32, #tpu.memory_space<hbm>>
    tpu.wait_indirect_dma semaphore(%arg7 : memref<!tpu.dma_semaphore, #tpu.memory_space<semaphore_mem>>) src(%dma_wait3A_188 : memref<4096x16xf32, #tpu.memory_space<hbm>>) dst(%dma_wait3A_182 : memref<128x16xf32, #tpu.memory_space<vmem>>)
    %dma_wait3A_189 = arith.constant 9 : i32
    %dma_wait3A_190 = arith.constant 1152 : i32
    %dma_wait3A_191 = arith.constant 0 : i32
    %dma_wait3A_192 = tpu.memref_slice %arg6[%dma_wait3A_190, %dma_wait3A_191] : memref<3840x16xf32, #tpu.memory_space<vmem>> -> memref<128x16xf32, #tpu.memory_space<vmem>>
    %dma_wait3A_193 = arith.constant 0 : i32
    %dma_wait3A_194 = tpu.memref_slice %arg5[%dma_wait3A_189, %dma_wait3A_193] : memref<30x128xi32, #tpu.memory_space<vmem>> -> memref<1x128xi32, #tpu.memory_space<vmem>>
    %dma_wait3A_195 = tpu.memref_squeeze %dma_wait3A_194 : memref<1x128xi32, #tpu.memory_space<vmem>> -> memref<128xi32, #tpu.memory_space<vmem>>
    %dma_wait3A_196 = arith.constant 0 : i32
    %dma_wait3A_197 = arith.constant 0 : i32
    %dma_wait3A_198 = tpu.memref_slice %arg2[%dma_wait3A_196, %dma_wait3A_197] : memref<4096x16xf32, #tpu.memory_space<hbm>> -> memref<4096x16xf32, #tpu.memory_space<hbm>>
    tpu.wait_indirect_dma semaphore(%arg7 : memref<!tpu.dma_semaphore, #tpu.memory_space<semaphore_mem>>) src(%dma_wait3A_198 : memref<4096x16xf32, #tpu.memory_space<hbm>>) dst(%dma_wait3A_192 : memref<128x16xf32, #tpu.memory_space<vmem>>)
    %dma_start3A_199 = arith.constant 10 : i32
    %dma_start3A_200 = arith.constant 1280 : i32
    %dma_start3A_201 = arith.constant 0 : i32
    %dma_start3A_202 = tpu.memref_slice %arg6[%dma_start3A_200, %dma_start3A_201] : memref<3840x16xf32, #tpu.memory_space<vmem>> -> memref<128x16xf32, #tpu.memory_space<vmem>>
    %dma_start3A_203 = arith.constant 0 : i32
    %dma_start3A_204 = tpu.memref_slice %arg5[%dma_start3A_199, %dma_start3A_203] : memref<30x128xi32, #tpu.memory_space<vmem>> -> memref<1x128xi32, #tpu.memory_space<vmem>>
    %dma_start3A_205 = tpu.memref_squeeze %dma_start3A_204 : memref<1x128xi32, #tpu.memory_space<vmem>> -> memref<128xi32, #tpu.memory_space<vmem>>
    %dma_start3A_206 = arith.constant 0 : i32
    %dma_start3A_207 = arith.constant 0 : i32
    %dma_start3A_208 = tpu.memref_slice %arg2[%dma_start3A_206, %dma_start3A_207] : memref<4096x16xf32, #tpu.memory_space<hbm>> -> memref<4096x16xf32, #tpu.memory_space<hbm>>
    tpu.enqueue_indirect_dma source(%dma_start3A_208 : memref<4096x16xf32, #tpu.memory_space<hbm>>) target(%dma_start3A_202 : memref<128x16xf32, #tpu.memory_space<vmem>>) offsets(%dma_start3A_205 : memref<128xi32, #tpu.memory_space<vmem>>) semaphore(%arg7 : memref<!tpu.dma_semaphore, #tpu.memory_space<semaphore_mem>>)
    %dma_start3A_209 = arith.constant 11 : i32
    %dma_start3A_210 = arith.constant 1408 : i32
    %dma_start3A_211 = arith.constant 0 : i32
    %dma_start3A_212 = tpu.memref_slice %arg6[%dma_start3A_210, %dma_start3A_211] : memref<3840x16xf32, #tpu.memory_space<vmem>> -> memref<128x16xf32, #tpu.memory_space<vmem>>
    %dma_start3A_213 = arith.constant 0 : i32
    %dma_start3A_214 = tpu.memref_slice %arg5[%dma_start3A_209, %dma_start3A_213] : memref<30x128xi32, #tpu.memory_space<vmem>> -> memref<1x128xi32, #tpu.memory_space<vmem>>
    %dma_start3A_215 = tpu.memref_squeeze %dma_start3A_214 : memref<1x128xi32, #tpu.memory_space<vmem>> -> memref<128xi32, #tpu.memory_space<vmem>>
    %dma_start3A_216 = arith.constant 0 : i32
    %dma_start3A_217 = arith.constant 0 : i32
    %dma_start3A_218 = tpu.memref_slice %arg2[%dma_start3A_216, %dma_start3A_217] : memref<4096x16xf32, #tpu.memory_space<hbm>> -> memref<4096x16xf32, #tpu.memory_space<hbm>>
    tpu.enqueue_indirect_dma source(%dma_start3A_218 : memref<4096x16xf32, #tpu.memory_space<hbm>>) target(%dma_start3A_212 : memref<128x16xf32, #tpu.memory_space<vmem>>) offsets(%dma_start3A_215 : memref<128xi32, #tpu.memory_space<vmem>>) semaphore(%arg7 : memref<!tpu.dma_semaphore, #tpu.memory_space<semaphore_mem>>)
    %dma_start3A_219 = arith.constant 12 : i32
    %dma_start3A_220 = arith.constant 1536 : i32
    %dma_start3A_221 = arith.constant 0 : i32
    %dma_start3A_222 = tpu.memref_slice %arg6[%dma_start3A_220, %dma_start3A_221] : memref<3840x16xf32, #tpu.memory_space<vmem>> -> memref<128x16xf32, #tpu.memory_space<vmem>>
    %dma_start3A_223 = arith.constant 0 : i32
    %dma_start3A_224 = tpu.memref_slice %arg5[%dma_start3A_219, %dma_start3A_223] : memref<30x128xi32, #tpu.memory_space<vmem>> -> memref<1x128xi32, #tpu.memory_space<vmem>>
    %dma_start3A_225 = tpu.memref_squeeze %dma_start3A_224 : memref<1x128xi32, #tpu.memory_space<vmem>> -> memref<128xi32, #tpu.memory_space<vmem>>
    %dma_start3A_226 = arith.constant 0 : i32
    %dma_start3A_227 = arith.constant 0 : i32
    %dma_start3A_228 = tpu.memref_slice %arg2[%dma_start3A_226, %dma_start3A_227] : memref<4096x16xf32, #tpu.memory_space<hbm>> -> memref<4096x16xf32, #tpu.memory_space<hbm>>
    tpu.enqueue_indirect_dma source(%dma_start3A_228 : memref<4096x16xf32, #tpu.memory_space<hbm>>) target(%dma_start3A_222 : memref<128x16xf32, #tpu.memory_space<vmem>>) offsets(%dma_start3A_225 : memref<128xi32, #tpu.memory_space<vmem>>) semaphore(%arg7 : memref<!tpu.dma_semaphore, #tpu.memory_space<semaphore_mem>>)
    %dma_start3A_229 = arith.constant 13 : i32
    %dma_start3A_230 = arith.constant 1664 : i32
    %dma_start3A_231 = arith.constant 0 : i32
    %dma_start3A_232 = tpu.memref_slice %arg6[%dma_start3A_230, %dma_start3A_231] : memref<3840x16xf32, #tpu.memory_space<vmem>> -> memref<128x16xf32, #tpu.memory_space<vmem>>
    %dma_start3A_233 = arith.constant 0 : i32
    %dma_start3A_234 = tpu.memref_slice %arg5[%dma_start3A_229, %dma_start3A_233] : memref<30x128xi32, #tpu.memory_space<vmem>> -> memref<1x128xi32, #tpu.memory_space<vmem>>
    %dma_start3A_235 = tpu.memref_squeeze %dma_start3A_234 : memref<1x128xi32, #tpu.memory_space<vmem>> -> memref<128xi32, #tpu.memory_space<vmem>>
    %dma_start3A_236 = arith.constant 0 : i32
    %dma_start3A_237 = arith.constant 0 : i32
    %dma_start3A_238 = tpu.memref_slice %arg2[%dma_start3A_236, %dma_start3A_237] : memref<4096x16xf32, #tpu.memory_space<hbm>> -> memref<4096x16xf32, #tpu.memory_space<hbm>>
    tpu.enqueue_indirect_dma source(%dma_start3A_238 : memref<4096x16xf32, #tpu.memory_space<hbm>>) target(%dma_start3A_232 : memref<128x16xf32, #tpu.memory_space<vmem>>) offsets(%dma_start3A_235 : memref<128xi32, #tpu.memory_space<vmem>>) semaphore(%arg7 : memref<!tpu.dma_semaphore, #tpu.memory_space<semaphore_mem>>)
    %dma_start3A_239 = arith.constant 14 : i32
    %dma_start3A_240 = arith.constant 1792 : i32
    %dma_start3A_241 = arith.constant 0 : i32
    %dma_start3A_242 = tpu.memref_slice %arg6[%dma_start3A_240, %dma_start3A_241] : memref<3840x16xf32, #tpu.memory_space<vmem>> -> memref<128x16xf32, #tpu.memory_space<vmem>>
    %dma_start3A_243 = arith.constant 0 : i32
    %dma_start3A_244 = tpu.memref_slice %arg5[%dma_start3A_239, %dma_start3A_243] : memref<30x128xi32, #tpu.memory_space<vmem>> -> memref<1x128xi32, #tpu.memory_space<vmem>>
    %dma_start3A_245 = tpu.memref_squeeze %dma_start3A_244 : memref<1x128xi32, #tpu.memory_space<vmem>> -> memref<128xi32, #tpu.memory_space<vmem>>
    %dma_start3A_246 = arith.constant 0 : i32
    %dma_start3A_247 = arith.constant 0 : i32
    %dma_start3A_248 = tpu.memref_slice %arg2[%dma_start3A_246, %dma_start3A_247] : memref<4096x16xf32, #tpu.memory_space<hbm>> -> memref<4096x16xf32, #tpu.memory_space<hbm>>
    tpu.enqueue_indirect_dma source(%dma_start3A_248 : memref<4096x16xf32, #tpu.memory_space<hbm>>) target(%dma_start3A_242 : memref<128x16xf32, #tpu.memory_space<vmem>>) offsets(%dma_start3A_245 : memref<128xi32, #tpu.memory_space<vmem>>) semaphore(%arg7 : memref<!tpu.dma_semaphore, #tpu.memory_space<semaphore_mem>>)
    %dma_start3A_249 = arith.constant 15 : i32
    %dma_start3A_250 = arith.constant 1920 : i32
    %dma_start3A_251 = arith.constant 0 : i32
    %dma_start3A_252 = tpu.memref_slice %arg6[%dma_start3A_250, %dma_start3A_251] : memref<3840x16xf32, #tpu.memory_space<vmem>> -> memref<128x16xf32, #tpu.memory_space<vmem>>
    %dma_start3A_253 = arith.constant 0 : i32
    %dma_start3A_254 = tpu.memref_slice %arg5[%dma_start3A_249, %dma_start3A_253] : memref<30x128xi32, #tpu.memory_space<vmem>> -> memref<1x128xi32, #tpu.memory_space<vmem>>
    %dma_start3A_255 = tpu.memref_squeeze %dma_start3A_254 : memref<1x128xi32, #tpu.memory_space<vmem>> -> memref<128xi32, #tpu.memory_space<vmem>>
    %dma_start3A_256 = arith.constant 0 : i32
    %dma_start3A_257 = arith.constant 0 : i32
    %dma_start3A_258 = tpu.memref_slice %arg2[%dma_start3A_256, %dma_start3A_257] : memref<4096x16xf32, #tpu.memory_space<hbm>> -> memref<4096x16xf32, #tpu.memory_space<hbm>>
    tpu.enqueue_indirect_dma source(%dma_start3A_258 : memref<4096x16xf32, #tpu.memory_space<hbm>>) target(%dma_start3A_252 : memref<128x16xf32, #tpu.memory_space<vmem>>) offsets(%dma_start3A_255 : memref<128xi32, #tpu.memory_space<vmem>>) semaphore(%arg7 : memref<!tpu.dma_semaphore, #tpu.memory_space<semaphore_mem>>)
    %dma_start3A_259 = arith.constant 16 : i32
    %dma_start3A_260 = arith.constant 2048 : i32
    %dma_start3A_261 = arith.constant 0 : i32
    %dma_start3A_262 = tpu.memref_slice %arg6[%dma_start3A_260, %dma_start3A_261] : memref<3840x16xf32, #tpu.memory_space<vmem>> -> memref<128x16xf32, #tpu.memory_space<vmem>>
    %dma_start3A_263 = arith.constant 0 : i32
    %dma_start3A_264 = tpu.memref_slice %arg5[%dma_start3A_259, %dma_start3A_263] : memref<30x128xi32, #tpu.memory_space<vmem>> -> memref<1x128xi32, #tpu.memory_space<vmem>>
    %dma_start3A_265 = tpu.memref_squeeze %dma_start3A_264 : memref<1x128xi32, #tpu.memory_space<vmem>> -> memref<128xi32, #tpu.memory_space<vmem>>
    %dma_start3A_266 = arith.constant 0 : i32
    %dma_start3A_267 = arith.constant 0 : i32
    %dma_start3A_268 = tpu.memref_slice %arg2[%dma_start3A_266, %dma_start3A_267] : memref<4096x16xf32, #tpu.memory_space<hbm>> -> memref<4096x16xf32, #tpu.memory_space<hbm>>
    tpu.enqueue_indirect_dma source(%dma_start3A_268 : memref<4096x16xf32, #tpu.memory_space<hbm>>) target(%dma_start3A_262 : memref<128x16xf32, #tpu.memory_space<vmem>>) offsets(%dma_start3A_265 : memref<128xi32, #tpu.memory_space<vmem>>) semaphore(%arg7 : memref<!tpu.dma_semaphore, #tpu.memory_space<semaphore_mem>>)
    %dma_start3A_269 = arith.constant 17 : i32
    %dma_start3A_270 = arith.constant 2176 : i32
    %dma_start3A_271 = arith.constant 0 : i32
    %dma_start3A_272 = tpu.memref_slice %arg6[%dma_start3A_270, %dma_start3A_271] : memref<3840x16xf32, #tpu.memory_space<vmem>> -> memref<128x16xf32, #tpu.memory_space<vmem>>
    %dma_start3A_273 = arith.constant 0 : i32
    %dma_start3A_274 = tpu.memref_slice %arg5[%dma_start3A_269, %dma_start3A_273] : memref<30x128xi32, #tpu.memory_space<vmem>> -> memref<1x128xi32, #tpu.memory_space<vmem>>
    %dma_start3A_275 = tpu.memref_squeeze %dma_start3A_274 : memref<1x128xi32, #tpu.memory_space<vmem>> -> memref<128xi32, #tpu.memory_space<vmem>>
    %dma_start3A_276 = arith.constant 0 : i32
    %dma_start3A_277 = arith.constant 0 : i32
    %dma_start3A_278 = tpu.memref_slice %arg2[%dma_start3A_276, %dma_start3A_277] : memref<4096x16xf32, #tpu.memory_space<hbm>> -> memref<4096x16xf32, #tpu.memory_space<hbm>>
    tpu.enqueue_indirect_dma source(%dma_start3A_278 : memref<4096x16xf32, #tpu.memory_space<hbm>>) target(%dma_start3A_272 : memref<128x16xf32, #tpu.memory_space<vmem>>) offsets(%dma_start3A_275 : memref<128xi32, #tpu.memory_space<vmem>>) semaphore(%arg7 : memref<!tpu.dma_semaphore, #tpu.memory_space<semaphore_mem>>)
    %dma_start3A_279 = arith.constant 18 : i32
    %dma_start3A_280 = arith.constant 2304 : i32
    %dma_start3A_281 = arith.constant 0 : i32
    %dma_start3A_282 = tpu.memref_slice %arg6[%dma_start3A_280, %dma_start3A_281] : memref<3840x16xf32, #tpu.memory_space<vmem>> -> memref<128x16xf32, #tpu.memory_space<vmem>>
    %dma_start3A_283 = arith.constant 0 : i32
    %dma_start3A_284 = tpu.memref_slice %arg5[%dma_start3A_279, %dma_start3A_283] : memref<30x128xi32, #tpu.memory_space<vmem>> -> memref<1x128xi32, #tpu.memory_space<vmem>>
    %dma_start3A_285 = tpu.memref_squeeze %dma_start3A_284 : memref<1x128xi32, #tpu.memory_space<vmem>> -> memref<128xi32, #tpu.memory_space<vmem>>
    %dma_start3A_286 = arith.constant 0 : i32
    %dma_start3A_287 = arith.constant 0 : i32
    %dma_start3A_288 = tpu.memref_slice %arg2[%dma_start3A_286, %dma_start3A_287] : memref<4096x16xf32, #tpu.memory_space<hbm>> -> memref<4096x16xf32, #tpu.memory_space<hbm>>
    tpu.enqueue_indirect_dma source(%dma_start3A_288 : memref<4096x16xf32, #tpu.memory_space<hbm>>) target(%dma_start3A_282 : memref<128x16xf32, #tpu.memory_space<vmem>>) offsets(%dma_start3A_285 : memref<128xi32, #tpu.memory_space<vmem>>) semaphore(%arg7 : memref<!tpu.dma_semaphore, #tpu.memory_space<semaphore_mem>>)
    %dma_start3A_289 = arith.constant 19 : i32
    %dma_start3A_290 = arith.constant 2432 : i32
    %dma_start3A_291 = arith.constant 0 : i32
    %dma_start3A_292 = tpu.memref_slice %arg6[%dma_start3A_290, %dma_start3A_291] : memref<3840x16xf32, #tpu.memory_space<vmem>> -> memref<128x16xf32, #tpu.memory_space<vmem>>
    %dma_start3A_293 = arith.constant 0 : i32
    %dma_start3A_294 = tpu.memref_slice %arg5[%dma_start3A_289, %dma_start3A_293] : memref<30x128xi32, #tpu.memory_space<vmem>> -> memref<1x128xi32, #tpu.memory_space<vmem>>
    %dma_start3A_295 = tpu.memref_squeeze %dma_start3A_294 : memref<1x128xi32, #tpu.memory_space<vmem>> -> memref<128xi32, #tpu.memory_space<vmem>>
    %dma_start3A_296 = arith.constant 0 : i32
    %dma_start3A_297 = arith.constant 0 : i32
    %dma_start3A_298 = tpu.memref_slice %arg2[%dma_start3A_296, %dma_start3A_297] : memref<4096x16xf32, #tpu.memory_space<hbm>> -> memref<4096x16xf32, #tpu.memory_space<hbm>>
    tpu.enqueue_indirect_dma source(%dma_start3A_298 : memref<4096x16xf32, #tpu.memory_space<hbm>>) target(%dma_start3A_292 : memref<128x16xf32, #tpu.memory_space<vmem>>) offsets(%dma_start3A_295 : memref<128xi32, #tpu.memory_space<vmem>>) semaphore(%arg7 : memref<!tpu.dma_semaphore, #tpu.memory_space<semaphore_mem>>)
    %dma_wait3A_299 = arith.constant 10 : i32
    %dma_wait3A_300 = arith.constant 1280 : i32
    %dma_wait3A_301 = arith.constant 0 : i32
    %dma_wait3A_302 = tpu.memref_slice %arg6[%dma_wait3A_300, %dma_wait3A_301] : memref<3840x16xf32, #tpu.memory_space<vmem>> -> memref<128x16xf32, #tpu.memory_space<vmem>>
    %dma_wait3A_303 = arith.constant 0 : i32
    %dma_wait3A_304 = tpu.memref_slice %arg5[%dma_wait3A_299, %dma_wait3A_303] : memref<30x128xi32, #tpu.memory_space<vmem>> -> memref<1x128xi32, #tpu.memory_space<vmem>>
    %dma_wait3A_305 = tpu.memref_squeeze %dma_wait3A_304 : memref<1x128xi32, #tpu.memory_space<vmem>> -> memref<128xi32, #tpu.memory_space<vmem>>
    %dma_wait3A_306 = arith.constant 0 : i32
    %dma_wait3A_307 = arith.constant 0 : i32
    %dma_wait3A_308 = tpu.memref_slice %arg2[%dma_wait3A_306, %dma_wait3A_307] : memref<4096x16xf32, #tpu.memory_space<hbm>> -> memref<4096x16xf32, #tpu.memory_space<hbm>>
    tpu.wait_indirect_dma semaphore(%arg7 : memref<!tpu.dma_semaphore, #tpu.memory_space<semaphore_mem>>) src(%dma_wait3A_308 : memref<4096x16xf32, #tpu.memory_space<hbm>>) dst(%dma_wait3A_302 : memref<128x16xf32, #tpu.memory_space<vmem>>)
    %dma_wait3A_309 = arith.constant 11 : i32
    %dma_wait3A_310 = arith.constant 1408 : i32
    %dma_wait3A_311 = arith.constant 0 : i32
    %dma_wait3A_312 = tpu.memref_slice %arg6[%dma_wait3A_310, %dma_wait3A_311] : memref<3840x16xf32, #tpu.memory_space<vmem>> -> memref<128x16xf32, #tpu.memory_space<vmem>>
    %dma_wait3A_313 = arith.constant 0 : i32
    %dma_wait3A_314 = tpu.memref_slice %arg5[%dma_wait3A_309, %dma_wait3A_313] : memref<30x128xi32, #tpu.memory_space<vmem>> -> memref<1x128xi32, #tpu.memory_space<vmem>>
    %dma_wait3A_315 = tpu.memref_squeeze %dma_wait3A_314 : memref<1x128xi32, #tpu.memory_space<vmem>> -> memref<128xi32, #tpu.memory_space<vmem>>
    %dma_wait3A_316 = arith.constant 0 : i32
    %dma_wait3A_317 = arith.constant 0 : i32
    %dma_wait3A_318 = tpu.memref_slice %arg2[%dma_wait3A_316, %dma_wait3A_317] : memref<4096x16xf32, #tpu.memory_space<hbm>> -> memref<4096x16xf32, #tpu.memory_space<hbm>>
    tpu.wait_indirect_dma semaphore(%arg7 : memref<!tpu.dma_semaphore, #tpu.memory_space<semaphore_mem>>) src(%dma_wait3A_318 : memref<4096x16xf32, #tpu.memory_space<hbm>>) dst(%dma_wait3A_312 : memref<128x16xf32, #tpu.memory_space<vmem>>)
    %dma_wait3A_319 = arith.constant 12 : i32
    %dma_wait3A_320 = arith.constant 1536 : i32
    %dma_wait3A_321 = arith.constant 0 : i32
    %dma_wait3A_322 = tpu.memref_slice %arg6[%dma_wait3A_320, %dma_wait3A_321] : memref<3840x16xf32, #tpu.memory_space<vmem>> -> memref<128x16xf32, #tpu.memory_space<vmem>>
    %dma_wait3A_323 = arith.constant 0 : i32
    %dma_wait3A_324 = tpu.memref_slice %arg5[%dma_wait3A_319, %dma_wait3A_323] : memref<30x128xi32, #tpu.memory_space<vmem>> -> memref<1x128xi32, #tpu.memory_space<vmem>>
    %dma_wait3A_325 = tpu.memref_squeeze %dma_wait3A_324 : memref<1x128xi32, #tpu.memory_space<vmem>> -> memref<128xi32, #tpu.memory_space<vmem>>
    %dma_wait3A_326 = arith.constant 0 : i32
    %dma_wait3A_327 = arith.constant 0 : i32
    %dma_wait3A_328 = tpu.memref_slice %arg2[%dma_wait3A_326, %dma_wait3A_327] : memref<4096x16xf32, #tpu.memory_space<hbm>> -> memref<4096x16xf32, #tpu.memory_space<hbm>>
    tpu.wait_indirect_dma semaphore(%arg7 : memref<!tpu.dma_semaphore, #tpu.memory_space<semaphore_mem>>) src(%dma_wait3A_328 : memref<4096x16xf32, #tpu.memory_space<hbm>>) dst(%dma_wait3A_322 : memref<128x16xf32, #tpu.memory_space<vmem>>)
    %dma_wait3A_329 = arith.constant 13 : i32
    %dma_wait3A_330 = arith.constant 1664 : i32
    %dma_wait3A_331 = arith.constant 0 : i32
    %dma_wait3A_332 = tpu.memref_slice %arg6[%dma_wait3A_330, %dma_wait3A_331] : memref<3840x16xf32, #tpu.memory_space<vmem>> -> memref<128x16xf32, #tpu.memory_space<vmem>>
    %dma_wait3A_333 = arith.constant 0 : i32
    %dma_wait3A_334 = tpu.memref_slice %arg5[%dma_wait3A_329, %dma_wait3A_333] : memref<30x128xi32, #tpu.memory_space<vmem>> -> memref<1x128xi32, #tpu.memory_space<vmem>>
    %dma_wait3A_335 = tpu.memref_squeeze %dma_wait3A_334 : memref<1x128xi32, #tpu.memory_space<vmem>> -> memref<128xi32, #tpu.memory_space<vmem>>
    %dma_wait3A_336 = arith.constant 0 : i32
    %dma_wait3A_337 = arith.constant 0 : i32
    %dma_wait3A_338 = tpu.memref_slice %arg2[%dma_wait3A_336, %dma_wait3A_337] : memref<4096x16xf32, #tpu.memory_space<hbm>> -> memref<4096x16xf32, #tpu.memory_space<hbm>>
    tpu.wait_indirect_dma semaphore(%arg7 : memref<!tpu.dma_semaphore, #tpu.memory_space<semaphore_mem>>) src(%dma_wait3A_338 : memref<4096x16xf32, #tpu.memory_space<hbm>>) dst(%dma_wait3A_332 : memref<128x16xf32, #tpu.memory_space<vmem>>)
    %dma_wait3A_339 = arith.constant 14 : i32
    %dma_wait3A_340 = arith.constant 1792 : i32
    %dma_wait3A_341 = arith.constant 0 : i32
    %dma_wait3A_342 = tpu.memref_slice %arg6[%dma_wait3A_340, %dma_wait3A_341] : memref<3840x16xf32, #tpu.memory_space<vmem>> -> memref<128x16xf32, #tpu.memory_space<vmem>>
    %dma_wait3A_343 = arith.constant 0 : i32
    %dma_wait3A_344 = tpu.memref_slice %arg5[%dma_wait3A_339, %dma_wait3A_343] : memref<30x128xi32, #tpu.memory_space<vmem>> -> memref<1x128xi32, #tpu.memory_space<vmem>>
    %dma_wait3A_345 = tpu.memref_squeeze %dma_wait3A_344 : memref<1x128xi32, #tpu.memory_space<vmem>> -> memref<128xi32, #tpu.memory_space<vmem>>
    %dma_wait3A_346 = arith.constant 0 : i32
    %dma_wait3A_347 = arith.constant 0 : i32
    %dma_wait3A_348 = tpu.memref_slice %arg2[%dma_wait3A_346, %dma_wait3A_347] : memref<4096x16xf32, #tpu.memory_space<hbm>> -> memref<4096x16xf32, #tpu.memory_space<hbm>>
    tpu.wait_indirect_dma semaphore(%arg7 : memref<!tpu.dma_semaphore, #tpu.memory_space<semaphore_mem>>) src(%dma_wait3A_348 : memref<4096x16xf32, #tpu.memory_space<hbm>>) dst(%dma_wait3A_342 : memref<128x16xf32, #tpu.memory_space<vmem>>)
    %dma_wait3A_349 = arith.constant 15 : i32
    %dma_wait3A_350 = arith.constant 1920 : i32
    %dma_wait3A_351 = arith.constant 0 : i32
    %dma_wait3A_352 = tpu.memref_slice %arg6[%dma_wait3A_350, %dma_wait3A_351] : memref<3840x16xf32, #tpu.memory_space<vmem>> -> memref<128x16xf32, #tpu.memory_space<vmem>>
    %dma_wait3A_353 = arith.constant 0 : i32
    %dma_wait3A_354 = tpu.memref_slice %arg5[%dma_wait3A_349, %dma_wait3A_353] : memref<30x128xi32, #tpu.memory_space<vmem>> -> memref<1x128xi32, #tpu.memory_space<vmem>>
    %dma_wait3A_355 = tpu.memref_squeeze %dma_wait3A_354 : memref<1x128xi32, #tpu.memory_space<vmem>> -> memref<128xi32, #tpu.memory_space<vmem>>
    %dma_wait3A_356 = arith.constant 0 : i32
    %dma_wait3A_357 = arith.constant 0 : i32
    %dma_wait3A_358 = tpu.memref_slice %arg2[%dma_wait3A_356, %dma_wait3A_357] : memref<4096x16xf32, #tpu.memory_space<hbm>> -> memref<4096x16xf32, #tpu.memory_space<hbm>>
    tpu.wait_indirect_dma semaphore(%arg7 : memref<!tpu.dma_semaphore, #tpu.memory_space<semaphore_mem>>) src(%dma_wait3A_358 : memref<4096x16xf32, #tpu.memory_space<hbm>>) dst(%dma_wait3A_352 : memref<128x16xf32, #tpu.memory_space<vmem>>)
    %dma_wait3A_359 = arith.constant 16 : i32
    %dma_wait3A_360 = arith.constant 2048 : i32
    %dma_wait3A_361 = arith.constant 0 : i32
    %dma_wait3A_362 = tpu.memref_slice %arg6[%dma_wait3A_360, %dma_wait3A_361] : memref<3840x16xf32, #tpu.memory_space<vmem>> -> memref<128x16xf32, #tpu.memory_space<vmem>>
    %dma_wait3A_363 = arith.constant 0 : i32
    %dma_wait3A_364 = tpu.memref_slice %arg5[%dma_wait3A_359, %dma_wait3A_363] : memref<30x128xi32, #tpu.memory_space<vmem>> -> memref<1x128xi32, #tpu.memory_space<vmem>>
    %dma_wait3A_365 = tpu.memref_squeeze %dma_wait3A_364 : memref<1x128xi32, #tpu.memory_space<vmem>> -> memref<128xi32, #tpu.memory_space<vmem>>
    %dma_wait3A_366 = arith.constant 0 : i32
    %dma_wait3A_367 = arith.constant 0 : i32
    %dma_wait3A_368 = tpu.memref_slice %arg2[%dma_wait3A_366, %dma_wait3A_367] : memref<4096x16xf32, #tpu.memory_space<hbm>> -> memref<4096x16xf32, #tpu.memory_space<hbm>>
    tpu.wait_indirect_dma semaphore(%arg7 : memref<!tpu.dma_semaphore, #tpu.memory_space<semaphore_mem>>) src(%dma_wait3A_368 : memref<4096x16xf32, #tpu.memory_space<hbm>>) dst(%dma_wait3A_362 : memref<128x16xf32, #tpu.memory_space<vmem>>)
    %dma_wait3A_369 = arith.constant 17 : i32
    %dma_wait3A_370 = arith.constant 2176 : i32
    %dma_wait3A_371 = arith.constant 0 : i32
    %dma_wait3A_372 = tpu.memref_slice %arg6[%dma_wait3A_370, %dma_wait3A_371] : memref<3840x16xf32, #tpu.memory_space<vmem>> -> memref<128x16xf32, #tpu.memory_space<vmem>>
    %dma_wait3A_373 = arith.constant 0 : i32
    %dma_wait3A_374 = tpu.memref_slice %arg5[%dma_wait3A_369, %dma_wait3A_373] : memref<30x128xi32, #tpu.memory_space<vmem>> -> memref<1x128xi32, #tpu.memory_space<vmem>>
    %dma_wait3A_375 = tpu.memref_squeeze %dma_wait3A_374 : memref<1x128xi32, #tpu.memory_space<vmem>> -> memref<128xi32, #tpu.memory_space<vmem>>
    %dma_wait3A_376 = arith.constant 0 : i32
    %dma_wait3A_377 = arith.constant 0 : i32
    %dma_wait3A_378 = tpu.memref_slice %arg2[%dma_wait3A_376, %dma_wait3A_377] : memref<4096x16xf32, #tpu.memory_space<hbm>> -> memref<4096x16xf32, #tpu.memory_space<hbm>>
    tpu.wait_indirect_dma semaphore(%arg7 : memref<!tpu.dma_semaphore, #tpu.memory_space<semaphore_mem>>) src(%dma_wait3A_378 : memref<4096x16xf32, #tpu.memory_space<hbm>>) dst(%dma_wait3A_372 : memref<128x16xf32, #tpu.memory_space<vmem>>)
    %dma_wait3A_379 = arith.constant 18 : i32
    %dma_wait3A_380 = arith.constant 2304 : i32
    %dma_wait3A_381 = arith.constant 0 : i32
    %dma_wait3A_382 = tpu.memref_slice %arg6[%dma_wait3A_380, %dma_wait3A_381] : memref<3840x16xf32, #tpu.memory_space<vmem>> -> memref<128x16xf32, #tpu.memory_space<vmem>>
    %dma_wait3A_383 = arith.constant 0 : i32
    %dma_wait3A_384 = tpu.memref_slice %arg5[%dma_wait3A_379, %dma_wait3A_383] : memref<30x128xi32, #tpu.memory_space<vmem>> -> memref<1x128xi32, #tpu.memory_space<vmem>>
    %dma_wait3A_385 = tpu.memref_squeeze %dma_wait3A_384 : memref<1x128xi32, #tpu.memory_space<vmem>> -> memref<128xi32, #tpu.memory_space<vmem>>
    %dma_wait3A_386 = arith.constant 0 : i32
    %dma_wait3A_387 = arith.constant 0 : i32
    %dma_wait3A_388 = tpu.memref_slice %arg2[%dma_wait3A_386, %dma_wait3A_387] : memref<4096x16xf32, #tpu.memory_space<hbm>> -> memref<4096x16xf32, #tpu.memory_space<hbm>>
    tpu.wait_indirect_dma semaphore(%arg7 : memref<!tpu.dma_semaphore, #tpu.memory_space<semaphore_mem>>) src(%dma_wait3A_388 : memref<4096x16xf32, #tpu.memory_space<hbm>>) dst(%dma_wait3A_382 : memref<128x16xf32, #tpu.memory_space<vmem>>)
    %dma_wait3A_389 = arith.constant 19 : i32
    %dma_wait3A_390 = arith.constant 2432 : i32
    %dma_wait3A_391 = arith.constant 0 : i32
    %dma_wait3A_392 = tpu.memref_slice %arg6[%dma_wait3A_390, %dma_wait3A_391] : memref<3840x16xf32, #tpu.memory_space<vmem>> -> memref<128x16xf32, #tpu.memory_space<vmem>>
    %dma_wait3A_393 = arith.constant 0 : i32
    %dma_wait3A_394 = tpu.memref_slice %arg5[%dma_wait3A_389, %dma_wait3A_393] : memref<30x128xi32, #tpu.memory_space<vmem>> -> memref<1x128xi32, #tpu.memory_space<vmem>>
    %dma_wait3A_395 = tpu.memref_squeeze %dma_wait3A_394 : memref<1x128xi32, #tpu.memory_space<vmem>> -> memref<128xi32, #tpu.memory_space<vmem>>
    %dma_wait3A_396 = arith.constant 0 : i32
    %dma_wait3A_397 = arith.constant 0 : i32
    %dma_wait3A_398 = tpu.memref_slice %arg2[%dma_wait3A_396, %dma_wait3A_397] : memref<4096x16xf32, #tpu.memory_space<hbm>> -> memref<4096x16xf32, #tpu.memory_space<hbm>>
    tpu.wait_indirect_dma semaphore(%arg7 : memref<!tpu.dma_semaphore, #tpu.memory_space<semaphore_mem>>) src(%dma_wait3A_398 : memref<4096x16xf32, #tpu.memory_space<hbm>>) dst(%dma_wait3A_392 : memref<128x16xf32, #tpu.memory_space<vmem>>)
    %dma_start3A_399 = arith.constant 20 : i32
    %dma_start3A_400 = arith.constant 2560 : i32
    %dma_start3A_401 = arith.constant 0 : i32
    %dma_start3A_402 = tpu.memref_slice %arg6[%dma_start3A_400, %dma_start3A_401] : memref<3840x16xf32, #tpu.memory_space<vmem>> -> memref<128x16xf32, #tpu.memory_space<vmem>>
    %dma_start3A_403 = arith.constant 0 : i32
    %dma_start3A_404 = tpu.memref_slice %arg5[%dma_start3A_399, %dma_start3A_403] : memref<30x128xi32, #tpu.memory_space<vmem>> -> memref<1x128xi32, #tpu.memory_space<vmem>>
    %dma_start3A_405 = tpu.memref_squeeze %dma_start3A_404 : memref<1x128xi32, #tpu.memory_space<vmem>> -> memref<128xi32, #tpu.memory_space<vmem>>
    %dma_start3A_406 = arith.constant 0 : i32
    %dma_start3A_407 = arith.constant 0 : i32
    %dma_start3A_408 = tpu.memref_slice %arg2[%dma_start3A_406, %dma_start3A_407] : memref<4096x16xf32, #tpu.memory_space<hbm>> -> memref<4096x16xf32, #tpu.memory_space<hbm>>
    tpu.enqueue_indirect_dma source(%dma_start3A_408 : memref<4096x16xf32, #tpu.memory_space<hbm>>) target(%dma_start3A_402 : memref<128x16xf32, #tpu.memory_space<vmem>>) offsets(%dma_start3A_405 : memref<128xi32, #tpu.memory_space<vmem>>) semaphore(%arg7 : memref<!tpu.dma_semaphore, #tpu.memory_space<semaphore_mem>>)
    %dma_start3A_409 = arith.constant 21 : i32
    %dma_start3A_410 = arith.constant 2688 : i32
    %dma_start3A_411 = arith.constant 0 : i32
    %dma_start3A_412 = tpu.memref_slice %arg6[%dma_start3A_410, %dma_start3A_411] : memref<3840x16xf32, #tpu.memory_space<vmem>> -> memref<128x16xf32, #tpu.memory_space<vmem>>
    %dma_start3A_413 = arith.constant 0 : i32
    %dma_start3A_414 = tpu.memref_slice %arg5[%dma_start3A_409, %dma_start3A_413] : memref<30x128xi32, #tpu.memory_space<vmem>> -> memref<1x128xi32, #tpu.memory_space<vmem>>
    %dma_start3A_415 = tpu.memref_squeeze %dma_start3A_414 : memref<1x128xi32, #tpu.memory_space<vmem>> -> memref<128xi32, #tpu.memory_space<vmem>>
    %dma_start3A_416 = arith.constant 0 : i32
    %dma_start3A_417 = arith.constant 0 : i32
    %dma_start3A_418 = tpu.memref_slice %arg2[%dma_start3A_416, %dma_start3A_417] : memref<4096x16xf32, #tpu.memory_space<hbm>> -> memref<4096x16xf32, #tpu.memory_space<hbm>>
    tpu.enqueue_indirect_dma source(%dma_start3A_418 : memref<4096x16xf32, #tpu.memory_space<hbm>>) target(%dma_start3A_412 : memref<128x16xf32, #tpu.memory_space<vmem>>) offsets(%dma_start3A_415 : memref<128xi32, #tpu.memory_space<vmem>>) semaphore(%arg7 : memref<!tpu.dma_semaphore, #tpu.memory_space<semaphore_mem>>)
    %dma_start3A_419 = arith.constant 22 : i32
    %dma_start3A_420 = arith.constant 2816 : i32
    %dma_start3A_421 = arith.constant 0 : i32
    %dma_start3A_422 = tpu.memref_slice %arg6[%dma_start3A_420, %dma_start3A_421] : memref<3840x16xf32, #tpu.memory_space<vmem>> -> memref<128x16xf32, #tpu.memory_space<vmem>>
    %dma_start3A_423 = arith.constant 0 : i32
    %dma_start3A_424 = tpu.memref_slice %arg5[%dma_start3A_419, %dma_start3A_423] : memref<30x128xi32, #tpu.memory_space<vmem>> -> memref<1x128xi32, #tpu.memory_space<vmem>>
    %dma_start3A_425 = tpu.memref_squeeze %dma_start3A_424 : memref<1x128xi32, #tpu.memory_space<vmem>> -> memref<128xi32, #tpu.memory_space<vmem>>
    %dma_start3A_426 = arith.constant 0 : i32
    %dma_start3A_427 = arith.constant 0 : i32
    %dma_start3A_428 = tpu.memref_slice %arg2[%dma_start3A_426, %dma_start3A_427] : memref<4096x16xf32, #tpu.memory_space<hbm>> -> memref<4096x16xf32, #tpu.memory_space<hbm>>
    tpu.enqueue_indirect_dma source(%dma_start3A_428 : memref<4096x16xf32, #tpu.memory_space<hbm>>) target(%dma_start3A_422 : memref<128x16xf32, #tpu.memory_space<vmem>>) offsets(%dma_start3A_425 : memref<128xi32, #tpu.memory_space<vmem>>) semaphore(%arg7 : memref<!tpu.dma_semaphore, #tpu.memory_space<semaphore_mem>>)
    %dma_start3A_429 = arith.constant 23 : i32
    %dma_start3A_430 = arith.constant 2944 : i32
    %dma_start3A_431 = arith.constant 0 : i32
    %dma_start3A_432 = tpu.memref_slice %arg6[%dma_start3A_430, %dma_start3A_431] : memref<3840x16xf32, #tpu.memory_space<vmem>> -> memref<128x16xf32, #tpu.memory_space<vmem>>
    %dma_start3A_433 = arith.constant 0 : i32
    %dma_start3A_434 = tpu.memref_slice %arg5[%dma_start3A_429, %dma_start3A_433] : memref<30x128xi32, #tpu.memory_space<vmem>> -> memref<1x128xi32, #tpu.memory_space<vmem>>
    %dma_start3A_435 = tpu.memref_squeeze %dma_start3A_434 : memref<1x128xi32, #tpu.memory_space<vmem>> -> memref<128xi32, #tpu.memory_space<vmem>>
    %dma_start3A_436 = arith.constant 0 : i32
    %dma_start3A_437 = arith.constant 0 : i32
    %dma_start3A_438 = tpu.memref_slice %arg2[%dma_start3A_436, %dma_start3A_437] : memref<4096x16xf32, #tpu.memory_space<hbm>> -> memref<4096x16xf32, #tpu.memory_space<hbm>>
    tpu.enqueue_indirect_dma source(%dma_start3A_438 : memref<4096x16xf32, #tpu.memory_space<hbm>>) target(%dma_start3A_432 : memref<128x16xf32, #tpu.memory_space<vmem>>) offsets(%dma_start3A_435 : memref<128xi32, #tpu.memory_space<vmem>>) semaphore(%arg7 : memref<!tpu.dma_semaphore, #tpu.memory_space<semaphore_mem>>)
    %dma_start3A_439 = arith.constant 24 : i32
    %dma_start3A_440 = arith.constant 3072 : i32
    %dma_start3A_441 = arith.constant 0 : i32
    %dma_start3A_442 = tpu.memref_slice %arg6[%dma_start3A_440, %dma_start3A_441] : memref<3840x16xf32, #tpu.memory_space<vmem>> -> memref<128x16xf32, #tpu.memory_space<vmem>>
    %dma_start3A_443 = arith.constant 0 : i32
    %dma_start3A_444 = tpu.memref_slice %arg5[%dma_start3A_439, %dma_start3A_443] : memref<30x128xi32, #tpu.memory_space<vmem>> -> memref<1x128xi32, #tpu.memory_space<vmem>>
    %dma_start3A_445 = tpu.memref_squeeze %dma_start3A_444 : memref<1x128xi32, #tpu.memory_space<vmem>> -> memref<128xi32, #tpu.memory_space<vmem>>
    %dma_start3A_446 = arith.constant 0 : i32
    %dma_start3A_447 = arith.constant 0 : i32
    %dma_start3A_448 = tpu.memref_slice %arg2[%dma_start3A_446, %dma_start3A_447] : memref<4096x16xf32, #tpu.memory_space<hbm>> -> memref<4096x16xf32, #tpu.memory_space<hbm>>
    tpu.enqueue_indirect_dma source(%dma_start3A_448 : memref<4096x16xf32, #tpu.memory_space<hbm>>) target(%dma_start3A_442 : memref<128x16xf32, #tpu.memory_space<vmem>>) offsets(%dma_start3A_445 : memref<128xi32, #tpu.memory_space<vmem>>) semaphore(%arg7 : memref<!tpu.dma_semaphore, #tpu.memory_space<semaphore_mem>>)
    %dma_start3A_449 = arith.constant 25 : i32
    %dma_start3A_450 = arith.constant 3200 : i32
    %dma_start3A_451 = arith.constant 0 : i32
    %dma_start3A_452 = tpu.memref_slice %arg6[%dma_start3A_450, %dma_start3A_451] : memref<3840x16xf32, #tpu.memory_space<vmem>> -> memref<128x16xf32, #tpu.memory_space<vmem>>
    %dma_start3A_453 = arith.constant 0 : i32
    %dma_start3A_454 = tpu.memref_slice %arg5[%dma_start3A_449, %dma_start3A_453] : memref<30x128xi32, #tpu.memory_space<vmem>> -> memref<1x128xi32, #tpu.memory_space<vmem>>
    %dma_start3A_455 = tpu.memref_squeeze %dma_start3A_454 : memref<1x128xi32, #tpu.memory_space<vmem>> -> memref<128xi32, #tpu.memory_space<vmem>>
    %dma_start3A_456 = arith.constant 0 : i32
    %dma_start3A_457 = arith.constant 0 : i32
    %dma_start3A_458 = tpu.memref_slice %arg2[%dma_start3A_456, %dma_start3A_457] : memref<4096x16xf32, #tpu.memory_space<hbm>> -> memref<4096x16xf32, #tpu.memory_space<hbm>>
    tpu.enqueue_indirect_dma source(%dma_start3A_458 : memref<4096x16xf32, #tpu.memory_space<hbm>>) target(%dma_start3A_452 : memref<128x16xf32, #tpu.memory_space<vmem>>) offsets(%dma_start3A_455 : memref<128xi32, #tpu.memory_space<vmem>>) semaphore(%arg7 : memref<!tpu.dma_semaphore, #tpu.memory_space<semaphore_mem>>)
    %dma_start3A_459 = arith.constant 26 : i32
    %dma_start3A_460 = arith.constant 3328 : i32
    %dma_start3A_461 = arith.constant 0 : i32
    %dma_start3A_462 = tpu.memref_slice %arg6[%dma_start3A_460, %dma_start3A_461] : memref<3840x16xf32, #tpu.memory_space<vmem>> -> memref<128x16xf32, #tpu.memory_space<vmem>>
    %dma_start3A_463 = arith.constant 0 : i32
    %dma_start3A_464 = tpu.memref_slice %arg5[%dma_start3A_459, %dma_start3A_463] : memref<30x128xi32, #tpu.memory_space<vmem>> -> memref<1x128xi32, #tpu.memory_space<vmem>>
    %dma_start3A_465 = tpu.memref_squeeze %dma_start3A_464 : memref<1x128xi32, #tpu.memory_space<vmem>> -> memref<128xi32, #tpu.memory_space<vmem>>
    %dma_start3A_466 = arith.constant 0 : i32
    %dma_start3A_467 = arith.constant 0 : i32
    %dma_start3A_468 = tpu.memref_slice %arg2[%dma_start3A_466, %dma_start3A_467] : memref<4096x16xf32, #tpu.memory_space<hbm>> -> memref<4096x16xf32, #tpu.memory_space<hbm>>
    tpu.enqueue_indirect_dma source(%dma_start3A_468 : memref<4096x16xf32, #tpu.memory_space<hbm>>) target(%dma_start3A_462 : memref<128x16xf32, #tpu.memory_space<vmem>>) offsets(%dma_start3A_465 : memref<128xi32, #tpu.memory_space<vmem>>) semaphore(%arg7 : memref<!tpu.dma_semaphore, #tpu.memory_space<semaphore_mem>>)
    %dma_start3A_469 = arith.constant 27 : i32
    %dma_start3A_470 = arith.constant 3456 : i32
    %dma_start3A_471 = arith.constant 0 : i32
    %dma_start3A_472 = tpu.memref_slice %arg6[%dma_start3A_470, %dma_start3A_471] : memref<3840x16xf32, #tpu.memory_space<vmem>> -> memref<128x16xf32, #tpu.memory_space<vmem>>
    %dma_start3A_473 = arith.constant 0 : i32
    %dma_start3A_474 = tpu.memref_slice %arg5[%dma_start3A_469, %dma_start3A_473] : memref<30x128xi32, #tpu.memory_space<vmem>> -> memref<1x128xi32, #tpu.memory_space<vmem>>
    %dma_start3A_475 = tpu.memref_squeeze %dma_start3A_474 : memref<1x128xi32, #tpu.memory_space<vmem>> -> memref<128xi32, #tpu.memory_space<vmem>>
    %dma_start3A_476 = arith.constant 0 : i32
    %dma_start3A_477 = arith.constant 0 : i32
    %dma_start3A_478 = tpu.memref_slice %arg2[%dma_start3A_476, %dma_start3A_477] : memref<4096x16xf32, #tpu.memory_space<hbm>> -> memref<4096x16xf32, #tpu.memory_space<hbm>>
    tpu.enqueue_indirect_dma source(%dma_start3A_478 : memref<4096x16xf32, #tpu.memory_space<hbm>>) target(%dma_start3A_472 : memref<128x16xf32, #tpu.memory_space<vmem>>) offsets(%dma_start3A_475 : memref<128xi32, #tpu.memory_space<vmem>>) semaphore(%arg7 : memref<!tpu.dma_semaphore, #tpu.memory_space<semaphore_mem>>)
    %dma_start3A_479 = arith.constant 28 : i32
    %dma_start3A_480 = arith.constant 3584 : i32
    %dma_start3A_481 = arith.constant 0 : i32
    %dma_start3A_482 = tpu.memref_slice %arg6[%dma_start3A_480, %dma_start3A_481] : memref<3840x16xf32, #tpu.memory_space<vmem>> -> memref<128x16xf32, #tpu.memory_space<vmem>>
    %dma_start3A_483 = arith.constant 0 : i32
    %dma_start3A_484 = tpu.memref_slice %arg5[%dma_start3A_479, %dma_start3A_483] : memref<30x128xi32, #tpu.memory_space<vmem>> -> memref<1x128xi32, #tpu.memory_space<vmem>>
    %dma_start3A_485 = tpu.memref_squeeze %dma_start3A_484 : memref<1x128xi32, #tpu.memory_space<vmem>> -> memref<128xi32, #tpu.memory_space<vmem>>
    %dma_start3A_486 = arith.constant 0 : i32
    %dma_start3A_487 = arith.constant 0 : i32
    %dma_start3A_488 = tpu.memref_slice %arg2[%dma_start3A_486, %dma_start3A_487] : memref<4096x16xf32, #tpu.memory_space<hbm>> -> memref<4096x16xf32, #tpu.memory_space<hbm>>
    tpu.enqueue_indirect_dma source(%dma_start3A_488 : memref<4096x16xf32, #tpu.memory_space<hbm>>) target(%dma_start3A_482 : memref<128x16xf32, #tpu.memory_space<vmem>>) offsets(%dma_start3A_485 : memref<128xi32, #tpu.memory_space<vmem>>) semaphore(%arg7 : memref<!tpu.dma_semaphore, #tpu.memory_space<semaphore_mem>>)
    %dma_start3A_489 = arith.constant 29 : i32
    %dma_start3A_490 = arith.constant 3712 : i32
    %dma_start3A_491 = arith.constant 0 : i32
    %dma_start3A_492 = tpu.memref_slice %arg6[%dma_start3A_490, %dma_start3A_491] : memref<3840x16xf32, #tpu.memory_space<vmem>> -> memref<128x16xf32, #tpu.memory_space<vmem>>
    %dma_start3A_493 = arith.constant 0 : i32
    %dma_start3A_494 = tpu.memref_slice %arg5[%dma_start3A_489, %dma_start3A_493] : memref<30x128xi32, #tpu.memory_space<vmem>> -> memref<1x128xi32, #tpu.memory_space<vmem>>
    %dma_start3A_495 = tpu.memref_squeeze %dma_start3A_494 : memref<1x128xi32, #tpu.memory_space<vmem>> -> memref<128xi32, #tpu.memory_space<vmem>>
    %dma_start3A_496 = arith.constant 0 : i32
    %dma_start3A_497 = arith.constant 0 : i32
    %dma_start3A_498 = tpu.memref_slice %arg2[%dma_start3A_496, %dma_start3A_497] : memref<4096x16xf32, #tpu.memory_space<hbm>> -> memref<4096x16xf32, #tpu.memory_space<hbm>>
    tpu.enqueue_indirect_dma source(%dma_start3A_498 : memref<4096x16xf32, #tpu.memory_space<hbm>>) target(%dma_start3A_492 : memref<128x16xf32, #tpu.memory_space<vmem>>) offsets(%dma_start3A_495 : memref<128xi32, #tpu.memory_space<vmem>>) semaphore(%arg7 : memref<!tpu.dma_semaphore, #tpu.memory_space<semaphore_mem>>)
    %dma_wait3A_499 = arith.constant 20 : i32
    %dma_wait3A_500 = arith.constant 2560 : i32
    %dma_wait3A_501 = arith.constant 0 : i32
    %dma_wait3A_502 = tpu.memref_slice %arg6[%dma_wait3A_500, %dma_wait3A_501] : memref<3840x16xf32, #tpu.memory_space<vmem>> -> memref<128x16xf32, #tpu.memory_space<vmem>>
    %dma_wait3A_503 = arith.constant 0 : i32
    %dma_wait3A_504 = tpu.memref_slice %arg5[%dma_wait3A_499, %dma_wait3A_503] : memref<30x128xi32, #tpu.memory_space<vmem>> -> memref<1x128xi32, #tpu.memory_space<vmem>>
    %dma_wait3A_505 = tpu.memref_squeeze %dma_wait3A_504 : memref<1x128xi32, #tpu.memory_space<vmem>> -> memref<128xi32, #tpu.memory_space<vmem>>
    %dma_wait3A_506 = arith.constant 0 : i32
    %dma_wait3A_507 = arith.constant 0 : i32
    %dma_wait3A_508 = tpu.memref_slice %arg2[%dma_wait3A_506, %dma_wait3A_507] : memref<4096x16xf32, #tpu.memory_space<hbm>> -> memref<4096x16xf32, #tpu.memory_space<hbm>>
    tpu.wait_indirect_dma semaphore(%arg7 : memref<!tpu.dma_semaphore, #tpu.memory_space<semaphore_mem>>) src(%dma_wait3A_508 : memref<4096x16xf32, #tpu.memory_space<hbm>>) dst(%dma_wait3A_502 : memref<128x16xf32, #tpu.memory_space<vmem>>)
    %dma_wait3A_509 = arith.constant 21 : i32
    %dma_wait3A_510 = arith.constant 2688 : i32
    %dma_wait3A_511 = arith.constant 0 : i32
    %dma_wait3A_512 = tpu.memref_slice %arg6[%dma_wait3A_510, %dma_wait3A_511] : memref<3840x16xf32, #tpu.memory_space<vmem>> -> memref<128x16xf32, #tpu.memory_space<vmem>>
    %dma_wait3A_513 = arith.constant 0 : i32
    %dma_wait3A_514 = tpu.memref_slice %arg5[%dma_wait3A_509, %dma_wait3A_513] : memref<30x128xi32, #tpu.memory_space<vmem>> -> memref<1x128xi32, #tpu.memory_space<vmem>>
    %dma_wait3A_515 = tpu.memref_squeeze %dma_wait3A_514 : memref<1x128xi32, #tpu.memory_space<vmem>> -> memref<128xi32, #tpu.memory_space<vmem>>
    %dma_wait3A_516 = arith.constant 0 : i32
    %dma_wait3A_517 = arith.constant 0 : i32
    %dma_wait3A_518 = tpu.memref_slice %arg2[%dma_wait3A_516, %dma_wait3A_517] : memref<4096x16xf32, #tpu.memory_space<hbm>> -> memref<4096x16xf32, #tpu.memory_space<hbm>>
    tpu.wait_indirect_dma semaphore(%arg7 : memref<!tpu.dma_semaphore, #tpu.memory_space<semaphore_mem>>) src(%dma_wait3A_518 : memref<4096x16xf32, #tpu.memory_space<hbm>>) dst(%dma_wait3A_512 : memref<128x16xf32, #tpu.memory_space<vmem>>)
    %dma_wait3A_519 = arith.constant 22 : i32
    %dma_wait3A_520 = arith.constant 2816 : i32
    %dma_wait3A_521 = arith.constant 0 : i32
    %dma_wait3A_522 = tpu.memref_slice %arg6[%dma_wait3A_520, %dma_wait3A_521] : memref<3840x16xf32, #tpu.memory_space<vmem>> -> memref<128x16xf32, #tpu.memory_space<vmem>>
    %dma_wait3A_523 = arith.constant 0 : i32
    %dma_wait3A_524 = tpu.memref_slice %arg5[%dma_wait3A_519, %dma_wait3A_523] : memref<30x128xi32, #tpu.memory_space<vmem>> -> memref<1x128xi32, #tpu.memory_space<vmem>>
    %dma_wait3A_525 = tpu.memref_squeeze %dma_wait3A_524 : memref<1x128xi32, #tpu.memory_space<vmem>> -> memref<128xi32, #tpu.memory_space<vmem>>
    %dma_wait3A_526 = arith.constant 0 : i32
    %dma_wait3A_527 = arith.constant 0 : i32
    %dma_wait3A_528 = tpu.memref_slice %arg2[%dma_wait3A_526, %dma_wait3A_527] : memref<4096x16xf32, #tpu.memory_space<hbm>> -> memref<4096x16xf32, #tpu.memory_space<hbm>>
    tpu.wait_indirect_dma semaphore(%arg7 : memref<!tpu.dma_semaphore, #tpu.memory_space<semaphore_mem>>) src(%dma_wait3A_528 : memref<4096x16xf32, #tpu.memory_space<hbm>>) dst(%dma_wait3A_522 : memref<128x16xf32, #tpu.memory_space<vmem>>)
    %dma_wait3A_529 = arith.constant 23 : i32
    %dma_wait3A_530 = arith.constant 2944 : i32
    %dma_wait3A_531 = arith.constant 0 : i32
    %dma_wait3A_532 = tpu.memref_slice %arg6[%dma_wait3A_530, %dma_wait3A_531] : memref<3840x16xf32, #tpu.memory_space<vmem>> -> memref<128x16xf32, #tpu.memory_space<vmem>>
    %dma_wait3A_533 = arith.constant 0 : i32
    %dma_wait3A_534 = tpu.memref_slice %arg5[%dma_wait3A_529, %dma_wait3A_533] : memref<30x128xi32, #tpu.memory_space<vmem>> -> memref<1x128xi32, #tpu.memory_space<vmem>>
    %dma_wait3A_535 = tpu.memref_squeeze %dma_wait3A_534 : memref<1x128xi32, #tpu.memory_space<vmem>> -> memref<128xi32, #tpu.memory_space<vmem>>
    %dma_wait3A_536 = arith.constant 0 : i32
    %dma_wait3A_537 = arith.constant 0 : i32
    %dma_wait3A_538 = tpu.memref_slice %arg2[%dma_wait3A_536, %dma_wait3A_537] : memref<4096x16xf32, #tpu.memory_space<hbm>> -> memref<4096x16xf32, #tpu.memory_space<hbm>>
    tpu.wait_indirect_dma semaphore(%arg7 : memref<!tpu.dma_semaphore, #tpu.memory_space<semaphore_mem>>) src(%dma_wait3A_538 : memref<4096x16xf32, #tpu.memory_space<hbm>>) dst(%dma_wait3A_532 : memref<128x16xf32, #tpu.memory_space<vmem>>)
    %dma_wait3A_539 = arith.constant 24 : i32
    %dma_wait3A_540 = arith.constant 3072 : i32
    %dma_wait3A_541 = arith.constant 0 : i32
    %dma_wait3A_542 = tpu.memref_slice %arg6[%dma_wait3A_540, %dma_wait3A_541] : memref<3840x16xf32, #tpu.memory_space<vmem>> -> memref<128x16xf32, #tpu.memory_space<vmem>>
    %dma_wait3A_543 = arith.constant 0 : i32
    %dma_wait3A_544 = tpu.memref_slice %arg5[%dma_wait3A_539, %dma_wait3A_543] : memref<30x128xi32, #tpu.memory_space<vmem>> -> memref<1x128xi32, #tpu.memory_space<vmem>>
    %dma_wait3A_545 = tpu.memref_squeeze %dma_wait3A_544 : memref<1x128xi32, #tpu.memory_space<vmem>> -> memref<128xi32, #tpu.memory_space<vmem>>
    %dma_wait3A_546 = arith.constant 0 : i32
    %dma_wait3A_547 = arith.constant 0 : i32
    %dma_wait3A_548 = tpu.memref_slice %arg2[%dma_wait3A_546, %dma_wait3A_547] : memref<4096x16xf32, #tpu.memory_space<hbm>> -> memref<4096x16xf32, #tpu.memory_space<hbm>>
    tpu.wait_indirect_dma semaphore(%arg7 : memref<!tpu.dma_semaphore, #tpu.memory_space<semaphore_mem>>) src(%dma_wait3A_548 : memref<4096x16xf32, #tpu.memory_space<hbm>>) dst(%dma_wait3A_542 : memref<128x16xf32, #tpu.memory_space<vmem>>)
    %dma_wait3A_549 = arith.constant 25 : i32
    %dma_wait3A_550 = arith.constant 3200 : i32
    %dma_wait3A_551 = arith.constant 0 : i32
    %dma_wait3A_552 = tpu.memref_slice %arg6[%dma_wait3A_550, %dma_wait3A_551] : memref<3840x16xf32, #tpu.memory_space<vmem>> -> memref<128x16xf32, #tpu.memory_space<vmem>>
    %dma_wait3A_553 = arith.constant 0 : i32
    %dma_wait3A_554 = tpu.memref_slice %arg5[%dma_wait3A_549, %dma_wait3A_553] : memref<30x128xi32, #tpu.memory_space<vmem>> -> memref<1x128xi32, #tpu.memory_space<vmem>>
    %dma_wait3A_555 = tpu.memref_squeeze %dma_wait3A_554 : memref<1x128xi32, #tpu.memory_space<vmem>> -> memref<128xi32, #tpu.memory_space<vmem>>
    %dma_wait3A_556 = arith.constant 0 : i32
    %dma_wait3A_557 = arith.constant 0 : i32
    %dma_wait3A_558 = tpu.memref_slice %arg2[%dma_wait3A_556, %dma_wait3A_557] : memref<4096x16xf32, #tpu.memory_space<hbm>> -> memref<4096x16xf32, #tpu.memory_space<hbm>>
    tpu.wait_indirect_dma semaphore(%arg7 : memref<!tpu.dma_semaphore, #tpu.memory_space<semaphore_mem>>) src(%dma_wait3A_558 : memref<4096x16xf32, #tpu.memory_space<hbm>>) dst(%dma_wait3A_552 : memref<128x16xf32, #tpu.memory_space<vmem>>)
    %dma_wait3A_559 = arith.constant 26 : i32
    %dma_wait3A_560 = arith.constant 3328 : i32
    %dma_wait3A_561 = arith.constant 0 : i32
    %dma_wait3A_562 = tpu.memref_slice %arg6[%dma_wait3A_560, %dma_wait3A_561] : memref<3840x16xf32, #tpu.memory_space<vmem>> -> memref<128x16xf32, #tpu.memory_space<vmem>>
    %dma_wait3A_563 = arith.constant 0 : i32
    %dma_wait3A_564 = tpu.memref_slice %arg5[%dma_wait3A_559, %dma_wait3A_563] : memref<30x128xi32, #tpu.memory_space<vmem>> -> memref<1x128xi32, #tpu.memory_space<vmem>>
    %dma_wait3A_565 = tpu.memref_squeeze %dma_wait3A_564 : memref<1x128xi32, #tpu.memory_space<vmem>> -> memref<128xi32, #tpu.memory_space<vmem>>
    %dma_wait3A_566 = arith.constant 0 : i32
    %dma_wait3A_567 = arith.constant 0 : i32
    %dma_wait3A_568 = tpu.memref_slice %arg2[%dma_wait3A_566, %dma_wait3A_567] : memref<4096x16xf32, #tpu.memory_space<hbm>> -> memref<4096x16xf32, #tpu.memory_space<hbm>>
    tpu.wait_indirect_dma semaphore(%arg7 : memref<!tpu.dma_semaphore, #tpu.memory_space<semaphore_mem>>) src(%dma_wait3A_568 : memref<4096x16xf32, #tpu.memory_space<hbm>>) dst(%dma_wait3A_562 : memref<128x16xf32, #tpu.memory_space<vmem>>)
    %dma_wait3A_569 = arith.constant 27 : i32
    %dma_wait3A_570 = arith.constant 3456 : i32
    %dma_wait3A_571 = arith.constant 0 : i32
    %dma_wait3A_572 = tpu.memref_slice %arg6[%dma_wait3A_570, %dma_wait3A_571] : memref<3840x16xf32, #tpu.memory_space<vmem>> -> memref<128x16xf32, #tpu.memory_space<vmem>>
    %dma_wait3A_573 = arith.constant 0 : i32
    %dma_wait3A_574 = tpu.memref_slice %arg5[%dma_wait3A_569, %dma_wait3A_573] : memref<30x128xi32, #tpu.memory_space<vmem>> -> memref<1x128xi32, #tpu.memory_space<vmem>>
    %dma_wait3A_575 = tpu.memref_squeeze %dma_wait3A_574 : memref<1x128xi32, #tpu.memory_space<vmem>> -> memref<128xi32, #tpu.memory_space<vmem>>
    %dma_wait3A_576 = arith.constant 0 : i32
    %dma_wait3A_577 = arith.constant 0 : i32
    %dma_wait3A_578 = tpu.memref_slice %arg2[%dma_wait3A_576, %dma_wait3A_577] : memref<4096x16xf32, #tpu.memory_space<hbm>> -> memref<4096x16xf32, #tpu.memory_space<hbm>>
    tpu.wait_indirect_dma semaphore(%arg7 : memref<!tpu.dma_semaphore, #tpu.memory_space<semaphore_mem>>) src(%dma_wait3A_578 : memref<4096x16xf32, #tpu.memory_space<hbm>>) dst(%dma_wait3A_572 : memref<128x16xf32, #tpu.memory_space<vmem>>)
    %dma_wait3A_579 = arith.constant 28 : i32
    %dma_wait3A_580 = arith.constant 3584 : i32
    %dma_wait3A_581 = arith.constant 0 : i32
    %dma_wait3A_582 = tpu.memref_slice %arg6[%dma_wait3A_580, %dma_wait3A_581] : memref<3840x16xf32, #tpu.memory_space<vmem>> -> memref<128x16xf32, #tpu.memory_space<vmem>>
    %dma_wait3A_583 = arith.constant 0 : i32
    %dma_wait3A_584 = tpu.memref_slice %arg5[%dma_wait3A_579, %dma_wait3A_583] : memref<30x128xi32, #tpu.memory_space<vmem>> -> memref<1x128xi32, #tpu.memory_space<vmem>>
    %dma_wait3A_585 = tpu.memref_squeeze %dma_wait3A_584 : memref<1x128xi32, #tpu.memory_space<vmem>> -> memref<128xi32, #tpu.memory_space<vmem>>
    %dma_wait3A_586 = arith.constant 0 : i32
    %dma_wait3A_587 = arith.constant 0 : i32
    %dma_wait3A_588 = tpu.memref_slice %arg2[%dma_wait3A_586, %dma_wait3A_587] : memref<4096x16xf32, #tpu.memory_space<hbm>> -> memref<4096x16xf32, #tpu.memory_space<hbm>>
    tpu.wait_indirect_dma semaphore(%arg7 : memref<!tpu.dma_semaphore, #tpu.memory_space<semaphore_mem>>) src(%dma_wait3A_588 : memref<4096x16xf32, #tpu.memory_space<hbm>>) dst(%dma_wait3A_582 : memref<128x16xf32, #tpu.memory_space<vmem>>)
    %dma_wait3A_589 = arith.constant 29 : i32
    %dma_wait3A_590 = arith.constant 3712 : i32
    %dma_wait3A_591 = arith.constant 0 : i32
    %dma_wait3A_592 = tpu.memref_slice %arg6[%dma_wait3A_590, %dma_wait3A_591] : memref<3840x16xf32, #tpu.memory_space<vmem>> -> memref<128x16xf32, #tpu.memory_space<vmem>>
    %dma_wait3A_593 = arith.constant 0 : i32
    %dma_wait3A_594 = tpu.memref_slice %arg5[%dma_wait3A_589, %dma_wait3A_593] : memref<30x128xi32, #tpu.memory_space<vmem>> -> memref<1x128xi32, #tpu.memory_space<vmem>>
    %dma_wait3A_595 = tpu.memref_squeeze %dma_wait3A_594 : memref<1x128xi32, #tpu.memory_space<vmem>> -> memref<128xi32, #tpu.memory_space<vmem>>
    %dma_wait3A_596 = arith.constant 0 : i32
    %dma_wait3A_597 = arith.constant 0 : i32
    %dma_wait3A_598 = tpu.memref_slice %arg2[%dma_wait3A_596, %dma_wait3A_597] : memref<4096x16xf32, #tpu.memory_space<hbm>> -> memref<4096x16xf32, #tpu.memory_space<hbm>>
    tpu.wait_indirect_dma semaphore(%arg7 : memref<!tpu.dma_semaphore, #tpu.memory_space<semaphore_mem>>) src(%dma_wait3A_598 : memref<4096x16xf32, #tpu.memory_space<hbm>>) dst(%dma_wait3A_592 : memref<128x16xf32, #tpu.memory_space<vmem>>)
    %mul3A_599 = arith.constant 3840 : i32
    %mul3A_600 = arith.muli %add3A, %mul3A_599 : i32
    "tpu.region"() ({
      %run_scoped3A = tpu.sem_alloc : memref<!tpu.dma_semaphore, #tpu.memory_space<semaphore_mem>>
      %dma_start3A_601 = arith.constant 0 : i32
      %dma_start3A_602 = tpu.memref_slice %arg4[%mul3A_600, %dma_start3A_601] : memref<122880x16xf32, #tpu.memory_space<hbm>> -> memref<3840x16xf32, #tpu.memory_space<hbm>>
      %dma_start3A_603 = arith.constant 0 : i32
      %dma_start3A_604 = tpu.memref_slice %arg4[%mul3A_600, %dma_start3A_603] : memref<122880x16xf32, #tpu.memory_space<hbm>> -> memref<3840x16xf32, #tpu.memory_space<hbm>>
      tpu.enqueue_dma source(%arg6 : memref<3840x16xf32, #tpu.memory_space<vmem>>) target(%dma_start3A_604 : memref<3840x16xf32, #tpu.memory_space<hbm>>) target_semaphore(%run_scoped3A : memref<!tpu.dma_semaphore, #tpu.memory_space<semaphore_mem>>)
      %dma_wait3A_605 = arith.constant 0 : i32
      %dma_wait3A_606 = tpu.memref_slice %arg4[%mul3A_600, %dma_wait3A_605] : memref<122880x16xf32, #tpu.memory_space<hbm>> -> memref<3840x16xf32, #tpu.memory_space<hbm>>
      %dma_wait3A_607 = arith.constant 0 : i32
      %dma_wait3A_608 = tpu.memref_slice %arg4[%mul3A_600, %dma_wait3A_607] : memref<122880x16xf32, #tpu.memory_space<hbm>> -> memref<3840x16xf32, #tpu.memory_space<hbm>>
      tpu.wait_dma2 semaphore(%run_scoped3A : memref<!tpu.dma_semaphore, #tpu.memory_space<semaphore_mem>>) src(%arg6 : memref<3840x16xf32, #tpu.memory_space<vmem>>) dst(%dma_wait3A_608 : memref<3840x16xf32, #tpu.memory_space<hbm>>)
      tpu.yield
    }) : () -> ()
    return
  }
}

module attributes {stable_mosaic.version = 14 : i64} {
  func.func @_dense_body(%arg0: i32, %arg1: memref<1024x16xf32, #tpu.memory_space<vmem>>, %arg2: memref<1024x16xf32, #tpu.memory_space<vmem>>, %arg3: memref<1024x1xf32, #tpu.memory_space<vmem>>, %arg4: memref<16x75xbf16, #tpu.memory_space<vmem>>, %arg5: memref<16x75xbf16, #tpu.memory_space<vmem>>, %arg6: memref<75x25xbf16, #tpu.memory_space<vmem>>, %arg7: memref<25x400xbf16, #tpu.memory_space<vmem>>, %arg8: memref<1x400xf32, #tpu.memory_space<vmem>>, %arg9: memref<400x128xbf16, #tpu.memory_space<vmem>>, %arg10: memref<72x128xbf16, #tpu.memory_space<vmem>>, %arg11: memref<1x128xf32, #tpu.memory_space<vmem>>, %arg12: memref<1x128xf32, #tpu.memory_space<vmem>>, %arg13: memref<1024x128xf32, #tpu.memory_space<vmem>>) attributes {dimension_semantics = [#tpu.dimension_semantics<arbitrary>], iteration_bounds = array<i64: 120>, scalar_prefetch = 0 : i64, scratch_operands = 0 : i64, tpu.core_type = #tpu.core_type<tc>, window_params = [{transform_indices = @transform_0, window_bounds = array<i64: 1024, 16>}, {transform_indices = @transform_1, window_bounds = array<i64: 1024, 16>}, {transform_indices = @transform_2, window_bounds = array<i64: 1024, 1>}, {pipeline_mode = #tpu.pipeline_mode<synchronous>, transform_indices = @transform_3, window_bounds = array<i64: 16, 75>}, {pipeline_mode = #tpu.pipeline_mode<synchronous>, transform_indices = @transform_4, window_bounds = array<i64: 16, 75>}, {pipeline_mode = #tpu.pipeline_mode<synchronous>, transform_indices = @transform_5, window_bounds = array<i64: 75, 25>}, {pipeline_mode = #tpu.pipeline_mode<synchronous>, transform_indices = @transform_6, window_bounds = array<i64: 25, 400>}, {pipeline_mode = #tpu.pipeline_mode<synchronous>, transform_indices = @transform_7, window_bounds = array<i64: 1, 400>}, {pipeline_mode = #tpu.pipeline_mode<synchronous>, transform_indices = @transform_8, window_bounds = array<i64: 400, 128>}, {pipeline_mode = #tpu.pipeline_mode<synchronous>, transform_indices = @transform_9, window_bounds = array<i64: 72, 128>}, {pipeline_mode = #tpu.pipeline_mode<synchronous>, transform_indices = @transform_10, window_bounds = array<i64: 1, 128>}, {pipeline_mode = #tpu.pipeline_mode<synchronous>, transform_indices = @transform_11, window_bounds = array<i64: 1, 128>}, {transform_indices = @transform_12, window_bounds = array<i64: 1024, 128>}]} {
    %get3A = arith.constant 0 : index
    %get3A_0 = arith.constant 0 : index
    %get3A_1 = vector.load %arg1[%get3A, %get3A_0] : memref<1024x16xf32, #tpu.memory_space<vmem>>, vector<1024x16xf32>
    %get3A_2 = arith.constant 0 : index
    %get3A_3 = arith.constant 0 : index
    %get3A_4 = vector.load %arg2[%get3A_2, %get3A_3] : memref<1024x16xf32, #tpu.memory_space<vmem>>, vector<1024x16xf32>
    %convert_element_type3A = arith.truncf %get3A_1 : vector<1024x16xf32> to vector<1024x16xbf16>
    %convert_element_type3A_5 = arith.extf %convert_element_type3A : vector<1024x16xbf16> to vector<1024x16xf32>
    %sub3A = arith.subf %get3A_1, %convert_element_type3A_5 : vector<1024x16xf32>
    %convert_element_type3A_6 = arith.truncf %sub3A : vector<1024x16xf32> to vector<1024x16xbf16>
    %get3A_7 = arith.constant 0 : index
    %get3A_8 = arith.constant 0 : index
    %get3A_9 = vector.load %arg4[%get3A_7, %get3A_8] : memref<16x75xbf16, #tpu.memory_space<vmem>>, vector<16x75xbf16>
    %dot_general3A = arith.constant dense<0.000000e+00> : vector<1024x75xf32>
    %dot_general3A_10 = tpu.matmul %convert_element_type3A, %get3A_9, %dot_general3A {dimension_numbers = #tpu.dot_dimension_numbers<[1], [0], [0], [1], [0, 0, 1, 1], [], []>, transpose_lhs_hint = false} : vector<1024x16xbf16>, vector<16x75xbf16>, vector<1024x75xf32> -> vector<1024x75xf32>
    %get3A_11 = arith.constant 0 : index
    %get3A_12 = arith.constant 0 : index
    %get3A_13 = vector.load %arg4[%get3A_11, %get3A_12] : memref<16x75xbf16, #tpu.memory_space<vmem>>, vector<16x75xbf16>
    %dot_general3A_14 = arith.constant dense<0.000000e+00> : vector<1024x75xf32>
    %dot_general3A_15 = tpu.matmul %convert_element_type3A_6, %get3A_13, %dot_general3A_14 {dimension_numbers = #tpu.dot_dimension_numbers<[1], [0], [0], [1], [0, 0, 1, 1], [], []>, transpose_lhs_hint = false} : vector<1024x16xbf16>, vector<16x75xbf16>, vector<1024x75xf32> -> vector<1024x75xf32>
    %add3A = arith.addf %dot_general3A_10, %dot_general3A_15 : vector<1024x75xf32>
    %convert_element_type3A_16 = arith.truncf %get3A_4 : vector<1024x16xf32> to vector<1024x16xbf16>
    %convert_element_type3A_17 = arith.extf %convert_element_type3A_16 : vector<1024x16xbf16> to vector<1024x16xf32>
    %sub3A_18 = arith.subf %get3A_4, %convert_element_type3A_17 : vector<1024x16xf32>
    %convert_element_type3A_19 = arith.truncf %sub3A_18 : vector<1024x16xf32> to vector<1024x16xbf16>
    %get3A_20 = arith.constant 0 : index
    %get3A_21 = arith.constant 0 : index
    %get3A_22 = vector.load %arg5[%get3A_20, %get3A_21] : memref<16x75xbf16, #tpu.memory_space<vmem>>, vector<16x75xbf16>
    %dot_general3A_23 = arith.constant dense<0.000000e+00> : vector<1024x75xf32>
    %dot_general3A_24 = tpu.matmul %convert_element_type3A_16, %get3A_22, %dot_general3A_23 {dimension_numbers = #tpu.dot_dimension_numbers<[1], [0], [0], [1], [0, 0, 1, 1], [], []>, transpose_lhs_hint = false} : vector<1024x16xbf16>, vector<16x75xbf16>, vector<1024x75xf32> -> vector<1024x75xf32>
    %get3A_25 = arith.constant 0 : index
    %get3A_26 = arith.constant 0 : index
    %get3A_27 = vector.load %arg5[%get3A_25, %get3A_26] : memref<16x75xbf16, #tpu.memory_space<vmem>>, vector<16x75xbf16>
    %dot_general3A_28 = arith.constant dense<0.000000e+00> : vector<1024x75xf32>
    %dot_general3A_29 = tpu.matmul %convert_element_type3A_19, %get3A_27, %dot_general3A_28 {dimension_numbers = #tpu.dot_dimension_numbers<[1], [0], [0], [1], [0, 0, 1, 1], [], []>, transpose_lhs_hint = false} : vector<1024x16xbf16>, vector<16x75xbf16>, vector<1024x75xf32> -> vector<1024x75xf32>
    %add3A_30 = arith.addf %dot_general3A_24, %dot_general3A_29 : vector<1024x75xf32>
    %sub3A_31 = arith.subf %add3A, %add3A_30 : vector<1024x75xf32>
    %mul3A = arith.mulf %sub3A_31, %sub3A_31 : vector<1024x75xf32>
    %convert_element_type3A_32 = arith.truncf %mul3A : vector<1024x75xf32> to vector<1024x75xbf16>
    %convert_element_type3A_33 = arith.extf %convert_element_type3A_32 : vector<1024x75xbf16> to vector<1024x75xf32>
    %sub3A_34 = arith.subf %mul3A, %convert_element_type3A_33 : vector<1024x75xf32>
    %convert_element_type3A_35 = arith.truncf %sub3A_34 : vector<1024x75xf32> to vector<1024x75xbf16>
    %get3A_36 = arith.constant 0 : index
    %get3A_37 = arith.constant 0 : index
    %get3A_38 = vector.load %arg6[%get3A_36, %get3A_37] : memref<75x25xbf16, #tpu.memory_space<vmem>>, vector<75x25xbf16>
    %dot_general3A_39 = arith.constant dense<0.000000e+00> : vector<1024x25xf32>
    %dot_general3A_40 = tpu.matmul %convert_element_type3A_32, %get3A_38, %dot_general3A_39 {dimension_numbers = #tpu.dot_dimension_numbers<[1], [0], [0], [1], [0, 0, 1, 1], [], []>, transpose_lhs_hint = false} : vector<1024x75xbf16>, vector<75x25xbf16>, vector<1024x25xf32> -> vector<1024x25xf32>
    %get3A_41 = arith.constant 0 : index
    %get3A_42 = arith.constant 0 : index
    %get3A_43 = vector.load %arg6[%get3A_41, %get3A_42] : memref<75x25xbf16, #tpu.memory_space<vmem>>, vector<75x25xbf16>
    %dot_general3A_44 = arith.constant dense<0.000000e+00> : vector<1024x25xf32>
    %dot_general3A_45 = tpu.matmul %convert_element_type3A_35, %get3A_43, %dot_general3A_44 {dimension_numbers = #tpu.dot_dimension_numbers<[1], [0], [0], [1], [0, 0, 1, 1], [], []>, transpose_lhs_hint = false} : vector<1024x75xbf16>, vector<75x25xbf16>, vector<1024x25xf32> -> vector<1024x25xf32>
    %add3A_46 = arith.addf %dot_general3A_40, %dot_general3A_45 : vector<1024x25xf32>
    %add3A_47 = arith.constant 9.99999997E-7 : f32
    %add3A_48 = vector.broadcast %add3A_47 : f32 to vector<1024x25xf32>
    %add3A_49 = arith.addf %add3A_46, %add3A_48 : vector<1024x25xf32>
    %sqrt3A = math.sqrt %add3A_49 : vector<1024x25xf32>
    %iota3A = tpu.iota {dimensions = array<i32: 1>} : vector<1024x25xi32>
    %get3A_50 = arith.constant 0 : index
    %get3A_51 = arith.constant 0 : index
    %get3A_52 = vector.load %arg3[%get3A_50, %get3A_51] : memref<1024x1xf32, #tpu.memory_space<vmem>>, vector<1024x1xf32>
    %broadcast_in_dim3A = vector.shape_cast %get3A_52 : vector<1024x1xf32> to vector<1024x1xf32>
    %broadcast_in_dim3A_53 = vector.broadcast %broadcast_in_dim3A : vector<1024x1xf32> to vector<1024x25xf32>
    %eq3A = arith.constant 6 : i32
    %eq3A_54 = vector.broadcast %eq3A : i32 to vector<1024x25xi32>
    %eq3A_55 = arith.cmpi eq, %iota3A, %eq3A_54 : vector<1024x25xi32>
    %select_n3A = arith.select %eq3A_55, %broadcast_in_dim3A_53, %sqrt3A : vector<1024x25xi1>, vector<1024x25xf32>
    %convert_element_type3A_56 = arith.truncf %select_n3A : vector<1024x25xf32> to vector<1024x25xbf16>
    %convert_element_type3A_57 = arith.extf %convert_element_type3A_56 : vector<1024x25xbf16> to vector<1024x25xf32>
    %sub3A_58 = arith.subf %select_n3A, %convert_element_type3A_57 : vector<1024x25xf32>
    %convert_element_type3A_59 = arith.truncf %sub3A_58 : vector<1024x25xf32> to vector<1024x25xbf16>
    %get3A_60 = arith.constant 0 : index
    %get3A_61 = arith.constant 0 : index
    %get3A_62 = vector.load %arg7[%get3A_60, %get3A_61] : memref<25x400xbf16, #tpu.memory_space<vmem>>, vector<25x400xbf16>
    %dot_general3A_63 = arith.constant dense<0.000000e+00> : vector<1024x400xf32>
    %dot_general3A_64 = tpu.matmul %convert_element_type3A_56, %get3A_62, %dot_general3A_63 {dimension_numbers = #tpu.dot_dimension_numbers<[1], [0], [0], [1], [0, 0, 1, 1], [], []>, transpose_lhs_hint = false} : vector<1024x25xbf16>, vector<25x400xbf16>, vector<1024x400xf32> -> vector<1024x400xf32>
    %get3A_65 = arith.constant 0 : index
    %get3A_66 = arith.constant 0 : index
    %get3A_67 = vector.load %arg7[%get3A_65, %get3A_66] : memref<25x400xbf16, #tpu.memory_space<vmem>>, vector<25x400xbf16>
    %dot_general3A_68 = arith.constant dense<0.000000e+00> : vector<1024x400xf32>
    %dot_general3A_69 = tpu.matmul %convert_element_type3A_59, %get3A_67, %dot_general3A_68 {dimension_numbers = #tpu.dot_dimension_numbers<[1], [0], [0], [1], [0, 0, 1, 1], [], []>, transpose_lhs_hint = false} : vector<1024x25xbf16>, vector<25x400xbf16>, vector<1024x400xf32> -> vector<1024x400xf32>
    %add3A_70 = arith.addf %dot_general3A_64, %dot_general3A_69 : vector<1024x400xf32>
    %get3A_71 = arith.constant 0 : index
    %get3A_72 = arith.constant 0 : index
    %get3A_73 = vector.load %arg8[%get3A_71, %get3A_72] : memref<1x400xf32, #tpu.memory_space<vmem>>, vector<1x400xf32>
    %sub3A_74 = vector.broadcast %get3A_73 : vector<1x400xf32> to vector<1024x400xf32>
    %sub3A_75 = arith.subf %add3A_70, %sub3A_74 : vector<1024x400xf32>
    %mul3A_76 = arith.constant 8.000000e-01 : f32
    %mul3A_77 = vector.broadcast %mul3A_76 : f32 to vector<1024x400xf32>
    %mul3A_78 = arith.mulf %sub3A_75, %mul3A_77 : vector<1024x400xf32>
    %mul3A_79 = arith.mulf %mul3A_78, %mul3A_78 : vector<1024x400xf32>
    %neg3A = arith.constant 0.000000e+00 : f32
    %neg3A_80 = vector.broadcast %neg3A : f32 to vector<1024x400xf32>
    %neg3A_81 = arith.subf %neg3A_80, %mul3A_79 : vector<1024x400xf32>
    %exp3A = math.exp %neg3A_81 : vector<1024x400xf32>
    %convert_element_type3A_82 = arith.truncf %exp3A : vector<1024x400xf32> to vector<1024x400xbf16>
    %get3A_83 = arith.constant 0 : index
    %get3A_84 = arith.constant 0 : index
    %get3A_85 = vector.load %arg9[%get3A_83, %get3A_84] : memref<400x128xbf16, #tpu.memory_space<vmem>>, vector<400x128xbf16>
    %dot_general3A_86 = arith.constant dense<0.000000e+00> : vector<1024x128xf32>
    %dot_general3A_87 = tpu.matmul %convert_element_type3A_82, %get3A_85, %dot_general3A_86 {dimension_numbers = #tpu.dot_dimension_numbers<[1], [0], [0], [1], [0, 0, 1, 1], [], []>, transpose_lhs_hint = false} : vector<1024x400xbf16>, vector<400x128xbf16>, vector<1024x128xf32> -> vector<1024x128xf32>
    %slice3A = vector.extract_strided_slice %get3A_1 {offsets = [0, 15], sizes = [1024, 1], strides = [1, 1]} : vector<1024x16xf32> to vector<1024x1xf32>
    %slice3A_88 = vector.extract_strided_slice %get3A_4 {offsets = [0, 15], sizes = [1024, 1], strides = [1, 1]} : vector<1024x16xf32> to vector<1024x1xf32>
    %sub3A_89 = arith.subf %slice3A, %slice3A_88 : vector<1024x1xf32>
    %mul3A_90 = arith.constant 2.500000e-01 : f32
    %mul3A_91 = vector.broadcast %mul3A_90 : f32 to vector<1024x1xf32>
    %mul3A_92 = arith.mulf %sub3A_89, %mul3A_91 : vector<1024x1xf32>
    %floor3A = math.floor %mul3A_92 : vector<1024x1xf32>
    %mul3A_93 = arith.constant 4.000000e+00 : f32
    %mul3A_94 = vector.broadcast %mul3A_93 : f32 to vector<1024x1xf32>
    %mul3A_95 = arith.mulf %mul3A_94, %floor3A : vector<1024x1xf32>
    %sub3A_96 = arith.subf %sub3A_89, %mul3A_95 : vector<1024x1xf32>
    %eq3A_97 = arith.constant 0.000000e+00 : f32
    %eq3A_98 = vector.broadcast %eq3A_97 : f32 to vector<1024x1xf32>
    %eq3A_99 = arith.cmpf oeq, %sub3A_96, %eq3A_98 : vector<1024x1xf32>
    %add3A_100 = arith.constant 3.200000e+01 : f32
    %add3A_101 = vector.broadcast %add3A_100 : f32 to vector<1024x1xf32>
    %add3A_102 = arith.addf %mul3A_92, %add3A_101 : vector<1024x1xf32>
    %jit3A = arith.constant 0.000000e+00 : f32
    %jit3A_103 = arith.constant 6.400000e+01 : f32
    %max3A = vector.broadcast %jit3A : f32 to vector<1024x1xf32>
    %max3A_104 = arith.maximumf %max3A, %add3A_102 : vector<1024x1xf32>
    %min3A = vector.broadcast %jit3A_103 : f32 to vector<1024x1xf32>
    %min3A_105 = arith.minimumf %min3A, %max3A_104 : vector<1024x1xf32>
    %jit3A_106 = arith.constant 6.500000e+01 : f32
    %broadcast_in_dim3A_107 = vector.broadcast %jit3A_106 : f32 to vector<1024x1xf32>
    %select_n3A_108 = arith.select %eq3A_99, %min3A_105, %broadcast_in_dim3A_107 : vector<1024x1xi1>, vector<1024x1xf32>
    %iota3A_109 = tpu.iota {dimensions = array<i32: 1>} : vector<1024x72xi32>
    %convert_element_type3A_110 = arith.fptosi %select_n3A_108 : vector<1024x1xf32> to vector<1024x1xi32>
    %eq3A_111 = vector.broadcast %convert_element_type3A_110 : vector<1024x1xi32> to vector<1024x72xi32>
    %eq3A_112 = arith.cmpi eq, %iota3A_109, %eq3A_111 : vector<1024x72xi32>
    %convert_element_type3A_113 = arith.extui %eq3A_112 : vector<1024x72xi1> to vector<1024x72xi32>
    %convert_element_type3A_114 = arith.sitofp %convert_element_type3A_113 : vector<1024x72xi32> to vector<1024x72xf32>
    %convert_element_type3A_115 = arith.truncf %convert_element_type3A_114 : vector<1024x72xf32> to vector<1024x72xbf16>
    %get3A_116 = arith.constant 0 : index
    %get3A_117 = arith.constant 0 : index
    %get3A_118 = vector.load %arg10[%get3A_116, %get3A_117] : memref<72x128xbf16, #tpu.memory_space<vmem>>, vector<72x128xbf16>
    %dot_general3A_119 = arith.constant dense<0.000000e+00> : vector<1024x128xf32>
    %dot_general3A_120 = tpu.matmul %convert_element_type3A_115, %get3A_118, %dot_general3A_119 {dimension_numbers = #tpu.dot_dimension_numbers<[1], [0], [0], [1], [0, 0, 1, 1], [], []>, transpose_lhs_hint = false} : vector<1024x72xbf16>, vector<72x128xbf16>, vector<1024x128xf32> -> vector<1024x128xf32>
    %add3A_121 = arith.addf %dot_general3A_87, %dot_general3A_120 : vector<1024x128xf32>
    %reduce_sum3A = arith.constant dense<0.000000e+00> : vector<1024xf32>
    %reduce_sum3A_122 = vector.multi_reduction <add>, %add3A_121, %reduce_sum3A [1] : vector<1024x128xf32> to vector<1024xf32>
    %broadcast_in_dim3A_123 = vector.shape_cast %reduce_sum3A_122 : vector<1024xf32> to vector<1024x1xf32>
    %div3A = arith.constant 1.280000e+02 : f32
    %div3A_124 = vector.broadcast %div3A : f32 to vector<1024x1xf32>
    %div3A_125 = arith.divf %broadcast_in_dim3A_123, %div3A_124 : vector<1024x1xf32>
    %sub3A_126 = vector.broadcast %div3A_125 : vector<1024x1xf32> to vector<1024x128xf32>
    %sub3A_127 = arith.subf %add3A_121, %sub3A_126 : vector<1024x128xf32>
    %mul3A_128 = arith.mulf %sub3A_127, %sub3A_127 : vector<1024x128xf32>
    %reduce_sum3A_129 = arith.constant dense<0.000000e+00> : vector<1024xf32>
    %reduce_sum3A_130 = vector.multi_reduction <add>, %mul3A_128, %reduce_sum3A_129 [1] : vector<1024x128xf32> to vector<1024xf32>
    %broadcast_in_dim3A_131 = vector.shape_cast %reduce_sum3A_130 : vector<1024xf32> to vector<1024x1xf32>
    %div3A_132 = arith.constant 1.280000e+02 : f32
    %div3A_133 = vector.broadcast %div3A_132 : f32 to vector<1024x1xf32>
    %div3A_134 = arith.divf %broadcast_in_dim3A_131, %div3A_133 : vector<1024x1xf32>
    %add3A_135 = arith.constant 9.99999974E-6 : f32
    %add3A_136 = vector.broadcast %add3A_135 : f32 to vector<1024x1xf32>
    %add3A_137 = arith.addf %div3A_134, %add3A_136 : vector<1024x1xf32>
    %rsqrt3A = math.rsqrt %add3A_137 : vector<1024x1xf32>
    %mul3A_138 = vector.broadcast %rsqrt3A : vector<1024x1xf32> to vector<1024x128xf32>
    %mul3A_139 = arith.mulf %sub3A_127, %mul3A_138 : vector<1024x128xf32>
    %get3A_140 = arith.constant 0 : index
    %get3A_141 = arith.constant 0 : index
    %get3A_142 = vector.load %arg11[%get3A_140, %get3A_141] : memref<1x128xf32, #tpu.memory_space<vmem>>, vector<1x128xf32>
    %mul3A_143 = vector.broadcast %get3A_142 : vector<1x128xf32> to vector<1024x128xf32>
    %mul3A_144 = arith.mulf %mul3A_139, %mul3A_143 : vector<1024x128xf32>
    %get3A_145 = arith.constant 0 : index
    %get3A_146 = arith.constant 0 : index
    %get3A_147 = vector.load %arg12[%get3A_145, %get3A_146] : memref<1x128xf32, #tpu.memory_space<vmem>>, vector<1x128xf32>
    %add3A_148 = vector.broadcast %get3A_147 : vector<1x128xf32> to vector<1024x128xf32>
    %add3A_149 = arith.addf %mul3A_144, %add3A_148 : vector<1024x128xf32>
    %swap3A = arith.constant 0 : index
    %swap3A_150 = arith.constant 0 : index
    %swap3A_151 = vector.load %arg13[%swap3A, %swap3A_150] : memref<1024x128xf32, #tpu.memory_space<vmem>>, vector<1024x128xf32>
    tpu.vector_store %arg13[%swap3A, %swap3A_150], %add3A_149 {strides = array<i32>} : memref<1024x128xf32, #tpu.memory_space<vmem>>, vector<1024x128xf32>,
    return
  }
  func.func @transform_0(%arg0: i32) -> (i32, i32) {
    %c0_i32 = arith.constant 0 : i32
    %c0_i32_0 = arith.constant 0 : i32
    return %arg0, %c0_i32 : i32, i32
  }
  func.func @transform_1(%arg0: i32) -> (i32, i32) {
    %c0_i32 = arith.constant 0 : i32
    %c0_i32_0 = arith.constant 0 : i32
    return %arg0, %c0_i32 : i32, i32
  }
  func.func @transform_2(%arg0: i32) -> (i32, i32) {
    %c0_i32 = arith.constant 0 : i32
    %c0_i32_0 = arith.constant 0 : i32
    return %arg0, %c0_i32 : i32, i32
  }
  func.func @transform_3(%arg0: i32) -> (i32, i32) {
    %c0_i32 = arith.constant 0 : i32
    %c0_i32_0 = arith.constant 0 : i32
    %c0_i32_1 = arith.constant 0 : i32
    return %c0_i32, %c0_i32_0 : i32, i32
  }
  func.func @transform_4(%arg0: i32) -> (i32, i32) {
    %c0_i32 = arith.constant 0 : i32
    %c0_i32_0 = arith.constant 0 : i32
    %c0_i32_1 = arith.constant 0 : i32
    return %c0_i32, %c0_i32_0 : i32, i32
  }
  func.func @transform_5(%arg0: i32) -> (i32, i32) {
    %c0_i32 = arith.constant 0 : i32
    %c0_i32_0 = arith.constant 0 : i32
    %c0_i32_1 = arith.constant 0 : i32
    return %c0_i32, %c0_i32_0 : i32, i32
  }
  func.func @transform_6(%arg0: i32) -> (i32, i32) {
    %c0_i32 = arith.constant 0 : i32
    %c0_i32_0 = arith.constant 0 : i32
    %c0_i32_1 = arith.constant 0 : i32
    return %c0_i32, %c0_i32_0 : i32, i32
  }
  func.func @transform_7(%arg0: i32) -> (i32, i32) {
    %c0_i32 = arith.constant 0 : i32
    %c0_i32_0 = arith.constant 0 : i32
    %c0_i32_1 = arith.constant 0 : i32
    return %c0_i32, %c0_i32_0 : i32, i32
  }
  func.func @transform_8(%arg0: i32) -> (i32, i32) {
    %c0_i32 = arith.constant 0 : i32
    %c0_i32_0 = arith.constant 0 : i32
    %c0_i32_1 = arith.constant 0 : i32
    return %c0_i32, %c0_i32_0 : i32, i32
  }
  func.func @transform_9(%arg0: i32) -> (i32, i32) {
    %c0_i32 = arith.constant 0 : i32
    %c0_i32_0 = arith.constant 0 : i32
    %c0_i32_1 = arith.constant 0 : i32
    return %c0_i32, %c0_i32_0 : i32, i32
  }
  func.func @transform_10(%arg0: i32) -> (i32, i32) {
    %c0_i32 = arith.constant 0 : i32
    %c0_i32_0 = arith.constant 0 : i32
    %c0_i32_1 = arith.constant 0 : i32
    return %c0_i32, %c0_i32_0 : i32, i32
  }
  func.func @transform_11(%arg0: i32) -> (i32, i32) {
    %c0_i32 = arith.constant 0 : i32
    %c0_i32_0 = arith.constant 0 : i32
    %c0_i32_1 = arith.constant 0 : i32
    return %c0_i32, %c0_i32_0 : i32, i32
  }
  func.func @transform_12(%arg0: i32) -> (i32, i32) {
    %c0_i32 = arith.constant 0 : i32
    %c0_i32_0 = arith.constant 0 : i32
    return %arg0, %c0_i32 : i32, i32
  }
}

</mosaic_0001>

<sc_bundles>
// kernel: kernel.4.cloned.1.call-start
scs
__scs_entry_jumppad:
0x0: {  	(pc) =	sbr.rel $0x88, $3  }
0x1: {  	(tag) =	ssettag $0x0;
	lr =	simm.s32 $0x1  }
0x2: {  	[smem:$0x3F98] =	sst lr;
	_ =	strace $0xD0000000  }
0x3: {  	_ = 	snop  }
0x4: {  	_ = 	snop  }
0x5: {  	_ = 	snop  }
0x6: {  	_ = 	snop  }
0x7: {  	_ = 	snop  }
__scs_overlays_trampoline_lowered:
0x8: {  	[smem:$0x3FA7] =	sst s0  }
0x9: {  	[smem:$0x3FA8] =	sst s1  }
0xa: {  	[smem:$0x3FA9] =	sst s2  }
0xb: {  	[smem:$0x3FAA] =	sst s3  }
0xc: {  	[smem:$0x3FAB] =	sst s4  }
0xd: {  	[smem:$0x3FAC] =	sst s5  }
0xe: {  	[smem:$0x3FAD] =	sst s6  }
0xf: {  	[smem:$0x3FAE] =	sst s7  }
0x10: {  	[smem:$0x3FAF] =	sst s8  }
0x11: {  	[smem:$0x3FB0] =	sst s9;
	s0 =	simm.s32 @!p0 $0x0  }
0x12: {  	s1 =	sld [smem:$0x3F96];
	s0 =	simm.s32 @p0 $0x1  }
0x13: {  	[smem:$0x3FB1] =	sst s0;
	s0 =	simm.s32 @!p1 $0x0  }
0x14: {  	s2 =	sld [smem:$0x3F95];
	s0 =	simm.s32 @p1 $0x1  }
0x15: {  	[smem:$0x3FB2] =	sst s0;
	s0 =	simm.s32 @!p2 $0x0  }
0x16: {  	s3 =	sld [smem:$0x3FDB];
	s0 =	simm.s32 @p2 $0x1  }
0x17: {  	s4 =	simm.s32 $0x1BF5;
	[smem:$0x3FB4] =	sst s0  }
0x18: {  	s0 =	sld [smem:$0x3F97];
	_ =	swait.ge [sflag:s4], $0x0  }
0x19: {  	s7 =	sld [smem:$0x3F98]  }
0x1a: {  	s8 =	sadd.s32 $0xFFFFE003, lr  }
0x1b: {  	s9 =	sadd.s32 $0xFFFFFEF7, lr;
	s5 =	simm.s32 $0xFFFFFFFF;
	p2 =	slt.u32 s8, $0xFFFFF086  }
0x1c: {  	p1 =	slt.u32 s9, $0xF7A;
	s5 =	simm.s32 @!p2 $0x0  }
0x1d: {  	s5 =	simm.s32 @p1 $0x1;
	p0 =	seq.s32 s7, s2  }
0x1e: {  	s7 =	smul.u32 @!p0 $0xF7A, s2;
	p2 =	seq.s32 @!p0 s5, $0x0  }
0x1f: {  	s9 =	smul.u32 $0xF7A, s1;
	s8 =	simm.s32 @!p0 $0x1BF5;
	p2 =	por !p2, p0  }
0x20: {  	[sflag:s8] =	ssyncset.s32 @!p0 $0xFFFFF086;
	s6 =	sadd.s32 @!p0 s3, s7;
	s7 =	simm.s32 @!p0 $0x108  }
0x21: {  	s3 =	sadd.s32 s3, s9;
	s6 =	sadd.s32 @!p0 $0x88, s6;
	s7 =	simm.s32 @p2 $0x1082  }
0x22: {  	[simem:s7], [sflag:s8] =	dma.local @!p0 [hbm:s6], $0xF7A  }
0x23: {  	s9 =	sor.u32 $0xD0000000, s2;
	s6 =	simm.s32 $0x108;
	_ =	swait.ge @!p0 [sflag:s8], $0x0  }
0x24: {  	s3 =	sadd.s32 $0x88, s3;
	s6 =	simm.s32 @!p1 $0x1082;
	[sflag:s4] =	ssyncset.s32 $0xFFFFF086  }
0x25: {  	[simem:s6], [sflag:s4] =	dma.local [hbm:s3], $0xF7A  }
0x26: {  	[smem:$0x3F98] =	sst s1;
	(tag) =	ssettag s2;
	_ =	strace s9  }
0x27: {  	s1 =	sld [smem:$0x3FA8]  }
0x28: {  	s2 =	sld [smem:$0x3FA9]  }
0x29: {  	s4 =	sld [smem:$0x3FAB]  }
0x2a: {  	p0 =	seq.s32 s5, $0x0;
	s5 =	sld [smem:$0x3FAC]  }
0x2b: {  	s6 =	sld [smem:$0x3FAD]  }
0x2c: {  	s7 =	sld [smem:$0x3FAE]  }
0x2d: {  	s3 =	simm.s32 $0x108;
	s8 =	sld [smem:$0x3FAF]  }
0x2e: {  	s3 =	simm.s32 @!p0 $0x1082;
	s9 =	sld [smem:$0x3FB0]  }
0x2f: {  	lr =	sadd.s32 s0, s3;
	s0 =	sld [smem:$0x3FA7]  }
0x30: {  	s3 =	sld [smem:$0x3FAA]  }
0x31: {  	[smem:$0x3FB3] =	sst s10  }
0x32: {  	s10 =	sld [smem:$0x3FB1];
	_ =	sdelay $0x3  }
0x33: {  	p0 =	seq.s32 s10, $0x1;
	s10 =	sld [smem:$0x3FB3];
	_ =	sdelay $0x3  }
0x34: {  	[smem:$0x3FB3] =	sst s10  }
0x35: {  	s10 =	sld [smem:$0x3FB2];
	_ =	sdelay $0x3  }
0x36: {  	p1 =	seq.s32 s10, $0x1;
	s10 =	sld [smem:$0x3FB3];
	_ =	sdelay $0x3  }
0x37: {  	[smem:$0x3FB3] =	sst s10  }
0x38: {  	s10 =	sld [smem:$0x3FB4]  }
0x39: {  	_ = 	snop;
	(pc) =	sbr.ind lr, $3  }
0x3a: {  	_ = 	snop  }
0x3b: {  	_ = 	snop  }
0x3c: {  	p2 =	seq.s32 s10, $0x1;
	s10 =	sld [smem:$0x3FB3]  }
0x3d: {  	_ =	shalt  }
0x3e: {  	_ =	shalt  }
0x3f: {  	_ =	shalt  }
0x40: {  	_ =	shalt  }
0x41: {  	_ =	shalt  }
0x42: {  	_ =	shalt  }
0x43: {  	_ =	shalt  }
0x44: {  	_ =	shalt  }
0x45: {  	_ =	shalt  }
0x46: {  	_ =	shalt  }
0x47: {  	_ =	shalt  }
0x48: {  	_ =	shalt  }
0x49: {  	_ =	shalt  }
0x4a: {  	_ =	shalt  }
0x4b: {  	_ =	shalt  }
0x4c: {  	_ =	shalt  }
0x4d: {  	_ =	shalt  }
0x4e: {  	_ =	shalt  }
0x4f: {  	_ =	shalt  }
0x50: {  	_ =	shalt  }
0x51: {  	_ =	shalt  }
0x52: {  	_ =	shalt  }
0x53: {  	_ =	shalt  }
0x54: {  	_ =	shalt  }
0x55: {  	_ =	shalt  }
0x56: {  	_ =	shalt  }
0x57: {  	_ =	shalt  }
0x58: {  	_ =	shalt  }
0x59: {  	_ =	shalt  }
0x5a: {  	_ =	shalt  }
0x5b: {  	_ =	shalt  }
0x5c: {  	_ =	shalt  }
0x5d: {  	_ =	shalt  }
0x5e: {  	_ =	shalt  }
0x5f: {  	_ =	shalt  }
0x60: {  	_ =	shalt  }
0x61: {  	_ =	shalt  }
0x62: {  	_ =	shalt  }
0x63: {  	_ =	shalt  }
0x64: {  	_ =	shalt  }
0x65: {  	_ =	shalt  }
0x66: {  	_ =	shalt  }
0x67: {  	_ =	shalt  }
0x68: {  	_ =	shalt  }
0x69: {  	_ =	shalt  }
0x6a: {  	_ =	shalt  }
0x6b: {  	_ =	shalt  }
0x6c: {  	_ =	shalt  }
0x6d: {  	_ =	shalt  }
0x6e: {  	_ =	shalt  }
0x6f: {  	_ =	shalt  }
0x70: {  	_ =	shalt  }
0x71: {  	_ =	shalt  }
0x72: {  	_ =	shalt  }
0x73: {  	_ =	shalt  }
0x74: {  	_ =	shalt  }
0x75: {  	_ =	shalt  }
0x76: {  	_ =	shalt  }
0x77: {  	_ =	shalt  }
0x78: {  	_ =	shalt  }
0x79: {  	_ =	shalt  }
0x7a: {  	_ =	shalt  }
0x7b: {  	_ =	shalt  }
0x7c: {  	_ =	shalt  }
0x7d: {  	_ =	shalt  }
0x7e: {  	_ =	shalt  }
0x7f: {  	_ =	shalt  }
0x80: {  	_ =	shalt  }
0x81: {  	_ =	shalt  }
0x82: {  	_ =	shalt  }
0x83: {  	_ =	shalt  }
0x84: {  	_ =	shalt  }
0x85: {  	_ =	shalt  }
0x86: {  	_ =	shalt  }
0x87: {  	_ =	shalt  }
.Lfunc_end0:
.L_simem_size_0:
called_computation.1_lowered:
.L_overlay_start_0:
0x88: {  	s2 =	sld [smem:$0x3FD9]  }
0x89: {  	s3 =	sld [smem:$0x3FFE];
	_ =	sdelay $0x1  }
0x8a: {  	s1 =	srdreg.scid  }
0x8b: {  	s0 =	sand.u32 $0x1, s1  }
0x8c: {  	s16 =	sshll.u32 s0, $0xA;
	s2 =	sadd.s32 s3, s2  }
0x8d: {  	s2 =	sadd.s32 s2, s16  }
0x8e: {  	[smem:$0x3FBF] =	sst s2  }
0x8f: {  	_ = 	snop  }
0x90: {  	(tm) =	ssettm $0x1  }
0x91: {  	s17 =	sld [smem:$0x3FFB];
	_ =	sdelay $0x3  }
0x92: {  	_ =	strace s17  }
0x93: {  	s2 =	sld [smem:$0x3FFC];
	_ =	sdelay $0x3  }
0x94: {  	_ =	strace s2  }
0x95: {  	s2 =	sld [smem:$0x3FFD];
	_ =	sdelay $0x3  }
0x96: {  	_ =	strace s2  }
0x97: {  	_ =	strace $0x8FFFFFFF  }
0x98: {  	s18 =	sld [smem:$0x3FDB];
	_ =	sdelay $0x1  }
0x99: {  	s19 =	simm.s32 $_scs_section_size  }
0x9a: {  	s4 =	simm.s32 $_size__tile_overlayer_lowered;
	s5 =	simm.s32 $_tile_overlayer_lowered  }
0x9b: {  	s22 =	simm.s32 $0x1BFF;
	s21 =	sshll.u32 s5, $0x1;
	s2 =	sadd.s32 s19, s18  }
0x9c: {  	s6 =	simm.s32 $0x0;
	s20 =	sshll.u32 s4, $0x1;
	s4 =	sadd.s32 s21, s2  }
0x9d: {  	[timem:s6], [sflag:s22] =	dma.local [hbm:s4], s20  }
0x9e: {  	_ =	swait.ge [sflag:s22], s20  }
0x9f: {  	s3 =	ssub.s32 $0x0, s20;
	[sflag:s22] =	ssyncset.done $0x0  }
0xa0: {  	[sflag:s22] =	ssyncadd.s32 s3;
	_ =	sdelay $0x1  }
0xa1: {  	s23 =	simm.s32 $0x1B8B  }
0xa2: {  	_ =	swait.ge [sflag:s23], $0x1  }
0xa3: {  	[sflag:s23] =	ssyncset.done $0x0  }
0xa4: {  	s25 =	simm.s32 $0x1B8E;
	s24 =	sld [smem:$0x3FFE];
	[sflag:s23] =	ssyncadd.s32 $0xFFFFFFFF  }
0xa5: {  	s26 =	simm.s32 $execute0_lowered;
	[smem:$0x3FD2] =	sst s25  }
0xa6: {  	s4 =	sshll.u32 s26, $0x1;
	_ =	strace $0x80000046;
	[dreg:$0x1] =	wrdreg $0xFFFFFFFF  }
0xa7: {  	s28 =	simm.s32 $_size_execute0_lowered;
	s2 =	sadd.s32 s2, s4;
	[dreg:$0x0] =	wrdreg $0x0  }
0xa8: {  	s4 =	sshll.u32 s28, $0x1;
	[dreg:$0x2] =	wrdreg s2  }
0xa9: {  	[dreg:$0x3] =	wrdreg s4  }
0xaa: {  	[dreg:$0x4] =	wrdreg $0xC0  }
0xab: {  	_ =	task [dreg:s6], $0x5FFFF  }
0xac: {  	[dreg:$0x1] =	wrdreg $0xFFFFFFFF  }
0xad: {  	[dreg:$0x0] =	wrdreg $0x60  }
0xae: {  	[dreg:$0x2] =	wrdreg s24  }
0xaf: {  	[dreg:$0x3] =	wrdreg $0x9  }
0xb0: {  	_ =	task.clear_ibuf [dreg:s6], $0x4FFFF;
	_ =	strace $0x90000046  }
0xb1: {  	s29 =	simm.s32 $0x9;
	_ =	strace $0x80000048  }
0xb2: {  	_ =	swait.ge [sflag:s29], $0x1  }
0xb3: {  	[sflag:s29] =	ssyncadd.s32 $0xFFFFFFFF  }
0xb4: {  	_ =	strace $0x90000048  }
0xb5: {  	_ =	sfence  }
0xb6: {  	s30 =	sld [smem:$0x0];
	_ =	sdelay $0x2  }
0xb7: {  	s31 =	sshll.u32 s1, $0xD;
	s1 =	sshrl.u32 s1, $0x2  }
0xb8: {  	s3 =	sand.u32 $0x4000, s31;
	s1 =	sadd.s32 s1, s30  }
0xb9: {  	s0 =	sor.u32 s3, s0;
	s1 =	sshll.u32 s1, $0x11  }
0xba: {  	s0 =	sor.u32 s1, s0  }
0xbb: {  	s0 =	sadd.s32 $0x8F2B, s0  }
0xbc: {  	[sflag:s0] =	ssyncadd.remote.s32 $0x1  }
0xbd: {  	_ =	sfence.sel $0xFFFF  }
0xbe: {  	[dreg:$0x0] =	wrdreg $0xFFFFFFFF;
	(pc) =	sbr.abs _section_cstart, $3  }
0xbf: {  	[dreg:$0x1] =	wrdreg $0xFFFFFFFF  }
0xc0: {  	_ =	task.clear_ibuf [dreg:s6], $0x2FFFF;
	_ =	strace $0x9FFFFFFF  }
0xc1: {  	(tm) =	ssettm $0x7FFFFFFF  }
tec
execute0_lowered:
.L_overlay_start_1:
0x0: {  	(tag) =	ssettag $0x1  }
0x1: {  	s1 =	srdreg.scid;
	s0 =	stileid.u32  }
0x2: {  	s1 =	sand.u32 $0x1, s1;
	s2 =	sshll.u32 s0, $0x1  }
0x3: {  	s4 =	rddreg [dreg:$0x0];
	s3 =	sor.u32 s1, s2;
	s2 =	simm.s32 $0x0  }
0x4: {  	s17 =	simm.s32 $0x1700;
	[smem:$0x7FF] =	sst s2  }
0x5: {  	s18 =	simm.s32 $0x100;
	_ =	strace $0x80000047;
	[dreg:$0x4] =	wrdreg s17  }
0x6: {  	s19 =	simm.s32 $0x1F00;
	[dreg:$0x5] =	wrdreg s18  }
0x7: {  	s20 =	simm.s32 $0x180;
	[dreg:$0x6] =	wrdreg s19  }
0x8: {  	s21 =	simm.s32 $0x2700;
	[dreg:$0x7] =	wrdreg s20  }
0x9: {  	s22 =	simm.s32 $0x200;
	[dreg:$0x8] =	wrdreg s21  }
0xa: {  	s23 =	simm.s32 $0x2F00;
	[dreg:$0x9] =	wrdreg s22  }
0xb: {  	s24 =	simm.s32 $0x280;
	[dreg:$0xa] =	wrdreg s23  }
0xc: {  	s25 =	simm.s32 $0x3700;
	[dreg:$0xb] =	wrdreg s24  }
0xd: {  	s26 =	simm.s32 $0x300;
	[dreg:$0xc] =	wrdreg s25  }
0xe: {  	s0 =	simm.s32 $0x3F00;
	[dreg:$0xd] =	wrdreg s26  }
0xf: {  	s6 =	simm.s32 $0x4700;
	[dreg:$0xe] =	wrdreg s0  }
0x10: {  	s7 =	simm.s32 $0x400;
	[dreg:$0x10] =	wrdreg s6  }
0x11: {  	s8 =	simm.s32 $0x4F00;
	[dreg:$0x11] =	wrdreg s7  }
0x12: {  	s9 =	simm.s32 $0x480;
	[dreg:$0x12] =	wrdreg s8  }
0x13: {  	s10 =	simm.s32 $0x5700;
	[dreg:$0x13] =	wrdreg s9  }
0x14: {  	s11 =	simm.s32 $0x500;
	[dreg:$0x14] =	wrdreg s10  }
0x15: {  	s12 =	simm.s32 $0x5F00;
	[dreg:$0x15] =	wrdreg s11  }
0x16: {  	s13 =	simm.s32 $0x580;
	[dreg:$0x16] =	wrdreg s12  }
0x17: {  	s14 =	simm.s32 $0x6700;
	[dreg:$0x17] =	wrdreg s13  }
0x18: {  	s15 =	simm.s32 $0x600;
	[dreg:$0x18] =	wrdreg s14  }
0x19: {  	s16 =	simm.s32 $0x6F00;
	[dreg:$0x19] =	wrdreg s15  }
0x1a: {  	[dreg:$0x1a] =	wrdreg s16;
	s17 =	simm.s32 $0x680  }
0x1b: {  	s18 =	simm.s32 $0x7700;
	[dreg:$0x1b] =	wrdreg s17  }
0x1c: {  	s19 =	simm.s32 $0x700;
	[dreg:$0x1c] =	wrdreg s18  }
0x1d: {  	s20 =	simm.s32 $0x7F00;
	[dreg:$0x1d] =	wrdreg s19  }
0x1e: {  	s21 =	simm.s32 $0x780;
	[dreg:$0x1e] =	wrdreg s20  }
0x1f: {  	s22 =	simm.s32 $0x8700;
	[dreg:$0x1f] =	wrdreg s21  }
0x20: {  	s23 =	simm.s32 $0x800;
	[smem:$0x7F8] =	sst s22  }
0x21: {  	s24 =	simm.s32 $0x8F00;
	[smem:$0x7FA] =	sst s23  }
0x22: {  	s5 =	smul.u32 $0x1E0, s3;
	s25 =	simm.s32 $0x880;
	[smem:$0x7F9] =	sst s24  }
0x23: {  	s3 =	smul.u32 $0x1E00, s3;
	s26 =	simm.s32 $0x9700;
	[smem:$0x7FB] =	sst s25  }
0x24: {  	s6 =	simm.s32 $0x900;
	s5 =	sadd.s32 s5, s4;
	[smem:$0x7FC] =	sst s26  }
0x25: {  	s3 =	sadd.s32 s3, s4;
	[smem:$0x7FD] =	sst s6;
	s5 =	sadd.s32 $0x1200, s5  }
0x26: {  	s3 =	sadd.s32 $0x6E00, s3;
	[dreg:$0x2] =	wrdreg s5  }
0x27: {  	[dreg:$0x3] =	wrdreg s3;
	s5 =	simm.s32 $0x380  }
0x28: {  	[dreg:$0xf] =	wrdreg s5  }
0x29: {  	s3 =	simm.s32 $0x2;
	s5 =	rddreg [dreg:$0x2]  }
0x2a: {  	[tilespmem:s2], [sflag:$0x2] =	stream.linear.gather [hbm4b:s5+s2], $0xF00, $0x38;
	[tilespmem:$0xFF00] =	vst v63  }
0x2b: {  	_ =	swait.ge [sflag:s3], $0xF00  }
0x2c: {  	s7 =	rddreg [dreg:$0x7]  }
0x2d: {  	s8 =	rddreg [dreg:$0x10]  }
0x2e: {  	s9 =	rddreg [dreg:$0xa]  }
0x2f: {  	s10 =	rddreg [dreg:$0x8]  }
0x30: {  	s11 =	rddreg [dreg:$0xc]  }
0x31: {  	s6 =	simm.s32 $0x80;
	s12 =	rddreg [dreg:$0x5]  }
0x32: {  	s5 =	sadd.s32 $0x4E00, s4;
	[sflag:s3] =	ssyncset.done $0x0;
	s13 =	rddreg [dreg:$0x4]  }
0x33: {  	s4 =	simm.s32 $0xF00;
	s14 =	rddreg [dreg:$0x6];
	[sflag:s3] =	ssyncadd.s32 $0xFFFFF100  }
0x34: {  	[tilespmem:s4], [sflag:$0x1] =	stream.indirect.gather [hbm4b:s5+s6], $0x10, s2, s6, $0xb8;
	[tilespmem:$0xFF00] =	vst v63  }
0x35: {  	s15 =	rddreg [dreg:$0x9]  }
0x36: {  	[tilespmem:s13], [sflag:$0x1] =	stream.indirect.gather [hbm4b:s5+s6], $0x10, s6, s6, $0xb8;
	[tilespmem:$0xFF00] =	vst v63  }
0x37: {  	s16 =	rddreg [dreg:$0xb]  }
0x38: {  	[tilespmem:s14], [sflag:$0x1] =	stream.indirect.gather [hbm4b:s5+s6], $0x10, s12, s6, $0xb8;
	[tilespmem:$0xFF00] =	vst v63  }
0x39: {  	s0 =	rddreg [dreg:$0xe]  }
0x3a: {  	[tilespmem:s10], [sflag:$0x1] =	stream.indirect.gather [hbm4b:s5+s6], $0x10, s7, s6, $0xb8;
	[tilespmem:$0xFF00] =	vst v63  }
0x3b: {  	s17 =	rddreg [dreg:$0xd]  }
0x3c: {  	[tilespmem:s9], [sflag:$0x1] =	stream.indirect.gather [hbm4b:s5+s6], $0x10, s15, s6, $0xb8;
	[tilespmem:$0xFF00] =	vst v63  }
0x3d: {  	s18 =	rddreg [dreg:$0xf]  }
0x3e: {  	[tilespmem:s11], [sflag:$0x1] =	stream.indirect.gather [hbm4b:s5+s6], $0x10, s16, s6, $0xb8;
	[tilespmem:$0xFF00] =	vst v63  }
0x3f: {  	s19 =	rddreg [dreg:$0x12]  }
0x40: {  	[tilespmem:s0], [sflag:$0x1] =	stream.indirect.gather [hbm4b:s5+s6], $0x10, s17, s6, $0xb8;
	[tilespmem:$0xFF00] =	vst v63  }
0x41: {  	s20 =	rddreg [dreg:$0x11]  }
0x42: {  	[tilespmem:s8], [sflag:$0x1] =	stream.indirect.gather [hbm4b:s5+s6], $0x10, s18, s6, $0xb8;
	[tilespmem:$0xFF00] =	vst v63  }
0x43: {  	s21 =	rddreg [dreg:$0x13]  }
0x44: {  	[tilespmem:s19], [sflag:$0x1] =	stream.indirect.gather [hbm4b:s5+s6], $0x10, s20, s6, $0xb8;
	[tilespmem:$0xFF00] =	vst v63  }
0x45: {  	s22 =	rddreg [dreg:$0x14];
	s7 =	simm.s32 $0x1  }
0x46: {  	[tilespmem:s22], [sflag:$0x1] =	stream.indirect.gather [hbm4b:s5+s6], $0x10, s21, s6, $0xb8;
	[tilespmem:$0xFF00] =	vst v63  }
0x47: {  	_ =	swait.ge [sflag:s7], $0x800  }
0x48: {  	[sflag:s7] =	ssyncset.done $0x0  }
0x49: {  	[sflag:s7] =	ssyncadd.s32 $0xFFFFF800  }
0x4a: {  	_ =	swait.ge [sflag:s7], $0x800  }
0x4b: {  	[sflag:s7] =	ssyncset.done $0x0  }
0x4c: {  	[sflag:s7] =	ssyncadd.s32 $0xFFFFF800  }
0x4d: {  	_ =	swait.ge [sflag:s7], $0x800  }
0x4e: {  	[sflag:s7] =	ssyncset.done $0x0  }
0x4f: {  	[sflag:s7] =	ssyncadd.s32 $0xFFFFF800  }
0x50: {  	_ =	swait.ge [sflag:s7], $0x800  }
0x51: {  	[sflag:s7] =	ssyncset.done $0x0  }
0x52: {  	[sflag:s7] =	ssyncadd.s32 $0xFFFFF800  }
0x53: {  	_ =	swait.ge [sflag:s7], $0x800  }
0x54: {  	[sflag:s7] =	ssyncset.done $0x0  }
0x55: {  	[sflag:s7] =	ssyncadd.s32 $0xFFFFF800  }
0x56: {  	_ =	swait.ge [sflag:s7], $0x800  }
0x57: {  	[sflag:s7] =	ssyncset.done $0x0  }
0x58: {  	[sflag:s7] =	ssyncadd.s32 $0xFFFFF800  }
0x59: {  	_ =	swait.ge [sflag:s7], $0x800  }
0x5a: {  	[sflag:s7] =	ssyncset.done $0x0  }
0x5b: {  	[sflag:s7] =	ssyncadd.s32 $0xFFFFF800  }
0x5c: {  	_ =	swait.ge [sflag:s7], $0x800  }
0x5d: {  	[sflag:s7] =	ssyncset.done $0x0  }
0x5e: {  	[sflag:s7] =	ssyncadd.s32 $0xFFFFF800  }
0x5f: {  	_ =	swait.ge [sflag:s7], $0x800  }
0x60: {  	[sflag:s7] =	ssyncset.done $0x0  }
0x61: {  	[sflag:s7] =	ssyncadd.s32 $0xFFFFF800  }
0x62: {  	_ =	swait.ge [sflag:s7], $0x800  }
0x63: {  	s23 =	rddreg [dreg:$0x19]  }
0x64: {  	s24 =	sld [smem:$0x7F8]  }
0x65: {  	s10 =	sld [smem:$0x7F9]  }
0x66: {  	s25 =	rddreg [dreg:$0x18]  }
0x67: {  	s26 =	rddreg [dreg:$0x17]  }
0x68: {  	s0 =	rddreg [dreg:$0x1a]  }
0x69: {  	s15 =	rddreg [dreg:$0x15]  }
0x6a: {  	s16 =	rddreg [dreg:$0x16]  }
0x6b: {  	[sflag:s7] =	ssyncset.done $0x0;
	s18 =	rddreg [dreg:$0x1e]  }
0x6c: {  	s17 =	rddreg [dreg:$0x1c];
	[sflag:s7] =	ssyncadd.s32 $0xFFFFF800  }
0x6d: {  	[tilespmem:s16], [sflag:$0x1] =	stream.indirect.gather [hbm4b:s5+s6], $0x10, s15, s6, $0xb8;
	[tilespmem:$0xFF00] =	vst v63  }
0x6e: {  	s19 =	rddreg [dreg:$0x1b]  }
0x6f: {  	[tilespmem:s25], [sflag:$0x1] =	stream.indirect.gather [hbm4b:s5+s6], $0x10, s26, s6, $0xb8;
	[tilespmem:$0xFF00] =	vst v63  }
0x70: {  	s20 =	rddreg [dreg:$0x1d]  }
0x71: {  	[tilespmem:s0], [sflag:$0x1] =	stream.indirect.gather [hbm4b:s5+s6], $0x10, s23, s6, $0xb8;
	[tilespmem:$0xFF00] =	vst v63  }
0x72: {  	s21 =	rddreg [dreg:$0x1f]  }
0x73: {  	[tilespmem:s17], [sflag:$0x1] =	stream.indirect.gather [hbm4b:s5+s6], $0x10, s19, s6, $0xb8;
	[tilespmem:$0xFF00] =	vst v63  }
0x74: {  	s22 =	sld [smem:$0x7FA]  }
0x75: {  	[tilespmem:s18], [sflag:$0x1] =	stream.indirect.gather [hbm4b:s5+s6], $0x10, s20, s6, $0xb8;
	[tilespmem:$0xFF00] =	vst v63  }
0x76: {  	s23 =	sld [smem:$0x7FB]  }
0x77: {  	[tilespmem:s24], [sflag:$0x1] =	stream.indirect.gather [hbm4b:s5+s6], $0x10, s21, s6, $0xb8;
	[tilespmem:$0xFF00] =	vst v63  }
0x78: {  	s24 =	sld [smem:$0x7FC]  }
0x79: {  	[tilespmem:s10], [sflag:$0x1] =	stream.indirect.gather [hbm4b:s5+s6], $0x10, s22, s6, $0xb8;
	[tilespmem:$0xFF00] =	vst v63  }
0x7a: {  	s25 =	sld [smem:$0x7FD]  }
0x7b: {  	[tilespmem:s24], [sflag:$0x1] =	stream.indirect.gather [hbm4b:s5+s6], $0x10, s23, s6, $0xb8;
	[tilespmem:$0xFF00] =	vst v63  }
0x7c: {  	s26 =	simm.s32 $0x9F00  }
0x7d: {  	[tilespmem:s26], [sflag:$0x1] =	stream.indirect.gather [hbm4b:s5+s6], $0x10, s25, s6, $0xb8;
	[tilespmem:$0xFF00] =	vst v63  }
0x7e: {  	s9 =	simm.s32 $0xA700;
	s8 =	simm.s32 $0x980  }
0x7f: {  	[tilespmem:s9], [sflag:$0x1] =	stream.indirect.gather [hbm4b:s5+s6], $0x10, s8, s6, $0xb8;
	[tilespmem:$0xFF00] =	vst v63  }
0x80: {  	_ =	swait.ge [sflag:s7], $0x800  }
0x81: {  	[sflag:s7] =	ssyncset.done $0x0  }
0x82: {  	[sflag:s7] =	ssyncadd.s32 $0xFFFFF800  }
0x83: {  	_ =	swait.ge [sflag:s7], $0x800  }
0x84: {  	[sflag:s7] =	ssyncset.done $0x0  }
0x85: {  	[sflag:s7] =	ssyncadd.s32 $0xFFFFF800  }
0x86: {  	_ =	swait.ge [sflag:s7], $0x800  }
0x87: {  	[sflag:s7] =	ssyncset.done $0x0  }
0x88: {  	[sflag:s7] =	ssyncadd.s32 $0xFFFFF800  }
0x89: {  	_ =	swait.ge [sflag:s7], $0x800  }
0x8a: {  	[sflag:s7] =	ssyncset.done $0x0  }
0x8b: {  	[sflag:s7] =	ssyncadd.s32 $0xFFFFF800  }
0x8c: {  	_ =	swait.ge [sflag:s7], $0x800  }
0x8d: {  	[sflag:s7] =	ssyncset.done $0x0  }
0x8e: {  	[sflag:s7] =	ssyncadd.s32 $0xFFFFF800  }
0x8f: {  	_ =	swait.ge [sflag:s7], $0x800  }
0x90: {  	[sflag:s7] =	ssyncset.done $0x0  }
0x91: {  	[sflag:s7] =	ssyncadd.s32 $0xFFFFF800  }
0x92: {  	_ =	swait.ge [sflag:s7], $0x800  }
0x93: {  	[sflag:s7] =	ssyncset.done $0x0  }
0x94: {  	[sflag:s7] =	ssyncadd.s32 $0xFFFFF800  }
0x95: {  	_ =	swait.ge [sflag:s7], $0x800  }
0x96: {  	[sflag:s7] =	ssyncset.done $0x0  }
0x97: {  	[sflag:s7] =	ssyncadd.s32 $0xFFFFF800  }
0x98: {  	_ =	swait.ge [sflag:s7], $0x800  }
0x99: {  	[sflag:s7] =	ssyncset.done $0x0  }
0x9a: {  	[sflag:s7] =	ssyncadd.s32 $0xFFFFF800  }
0x9b: {  	_ =	swait.ge [sflag:s7], $0x800  }
0x9c: {  	[sflag:s7] =	ssyncset.done $0x0  }
0x9d: {  	s11 =	simm.s32 $0xAF00;
	s10 =	simm.s32 $0xA00;
	[sflag:s7] =	ssyncadd.s32 $0xFFFFF800  }
0x9e: {  	[tilespmem:s11], [sflag:$0x1] =	stream.indirect.gather [hbm4b:s5+s6], $0x10, s10, s6, $0xb8;
	[tilespmem:$0xFF00] =	vst v63  }
0x9f: {  	s13 =	simm.s32 $0xB700;
	s12 =	simm.s32 $0xA80  }
0xa0: {  	[tilespmem:s13], [sflag:$0x1] =	stream.indirect.gather [hbm4b:s5+s6], $0x10, s12, s6, $0xb8;
	[tilespmem:$0xFF00] =	vst v63  }
0xa1: {  	s14 =	simm.s32 $0xB00;
	s15 =	simm.s32 $0xBF00  }
0xa2: {  	[tilespmem:s15], [sflag:$0x1] =	stream.indirect.gather [hbm4b:s5+s6], $0x10, s14, s6, $0xb8;
	[tilespmem:$0xFF00] =	vst v63  }
0xa3: {  	s17 =	simm.s32 $0xB80;
	s18 =	simm.s32 $0xC700  }
0xa4: {  	[tilespmem:s18], [sflag:$0x1] =	stream.indirect.gather [hbm4b:s5+s6], $0x10, s17, s6, $0xb8;
	[tilespmem:$0xFF00] =	vst v63  }
0xa5: {  	s19 =	simm.s32 $0xC00;
	s20 =	simm.s32 $0xCF00  }
0xa6: {  	[tilespmem:s20], [sflag:$0x1] =	stream.indirect.gather [hbm4b:s5+s6], $0x10, s19, s6, $0xb8;
	[tilespmem:$0xFF00] =	vst v63  }
0xa7: {  	s21 =	simm.s32 $0xC80;
	s22 =	simm.s32 $0xD700  }
0xa8: {  	[tilespmem:s22], [sflag:$0x1] =	stream.indirect.gather [hbm4b:s5+s6], $0x10, s21, s6, $0xb8;
	[tilespmem:$0xFF00] =	vst v63  }
0xa9: {  	s23 =	simm.s32 $0xD00;
	s24 =	simm.s32 $0xDF00  }
0xaa: {  	[tilespmem:s24], [sflag:$0x1] =	stream.indirect.gather [hbm4b:s5+s6], $0x10, s23, s6, $0xb8;
	[tilespmem:$0xFF00] =	vst v63  }
0xab: {  	s25 =	simm.s32 $0xD80;
	s26 =	simm.s32 $0xE700  }
0xac: {  	[tilespmem:s26], [sflag:$0x1] =	stream.indirect.gather [hbm4b:s5+s6], $0x10, s25, s6, $0xb8;
	[tilespmem:$0xFF00] =	vst v63  }
0xad: {  	s28 =	simm.s32 $0xE00;
	s29 =	simm.s32 $0xEF00  }
0xae: {  	[tilespmem:s29], [sflag:$0x1] =	stream.indirect.gather [hbm4b:s5+s6], $0x10, s28, s6, $0xb8;
	[tilespmem:$0xFF00] =	vst v63  }
0xaf: {  	s30 =	simm.s32 $0xE80;
	s31 =	simm.s32 $0xF700  }
0xb0: {  	[tilespmem:s31], [sflag:$0x1] =	stream.indirect.gather [hbm4b:s5+s6], $0x10, s30, s6, $0xb8;
	[tilespmem:$0xFF00] =	vst v63  }
0xb1: {  	_ =	swait.ge [sflag:s7], $0x800  }
0xb2: {  	[sflag:s7] =	ssyncset.done $0x0  }
0xb3: {  	[sflag:s7] =	ssyncadd.s32 $0xFFFFF800  }
0xb4: {  	_ =	swait.ge [sflag:s7], $0x800  }
0xb5: {  	[sflag:s7] =	ssyncset.done $0x0  }
0xb6: {  	[sflag:s7] =	ssyncadd.s32 $0xFFFFF800  }
0xb7: {  	_ =	swait.ge [sflag:s7], $0x800  }
0xb8: {  	[sflag:s7] =	ssyncset.done $0x0  }
0xb9: {  	[sflag:s7] =	ssyncadd.s32 $0xFFFFF800  }
0xba: {  	s1 =	ssub.s32 $0x2, s1;
	_ =	swait.ge [sflag:s7], $0x800  }
0xbb: {  	s16 =	sshrl.u32 s1, $0x1;
	[sflag:s7] =	ssyncset.done $0x0  }
0xbc: {  	s0 =	ssub.s32 s1, s16;
	[sflag:s7] =	ssyncadd.s32 $0xFFFFF800  }
0xbd: {  	s0 =	smax.u32 s0, $0x1;
	_ =	swait.ge [sflag:s7], $0x800  }
0xbe: {  	p0 =	sne.s32 s0, $0x1;
	[sflag:s7] =	ssyncset.done $0x0  }
.Ltmp0:
0xbf: {  	[sflag:s7] =	ssyncadd.s32 $0xFFFFF800;
	(pc) =	sbr.rel @!p0 .LBB2_2-.Ltmp0, $4  }
0xc0: {  	_ =	swait.ge [sflag:s7], $0x800  }
0xc1: {  	[sflag:s7] =	ssyncset.done $0x0  }
0xc2: {  	[sflag:s7] =	ssyncadd.s32 $0xFFFFF800  }
0xc3: {  	s1 =	sadd.s32 $0xFFFFFFFF, s0;
	_ =	swait.ge [sflag:s7], $0x800  }
.LBB2_1:
0xc4: {  	[sflag:s7] =	ssyncset.done $0x0  }
0xc5: {  	[sflag:s7] =	ssyncadd.s32 $0xFFFFF800  }
0xc6: {  	_ =	swait.ge [sflag:s7], $0x800  }
0xc7: {  	[sflag:s7] =	ssyncset.done $0x0  }
0xc8: {  	[sflag:s7] =	ssyncadd.s32 $0xFFFFF800  }
0xc9: {  	_ =	swait.ge [sflag:s7], $0x800  }
0xca: {  	[sflag:s7] =	ssyncset.done $0x0  }
0xcb: {  	[sflag:s7] =	ssyncadd.s32 $0xFFFFF800  }
0xcc: {  	_ =	swait.ge [sflag:s7], $0x800  }
0xcd: {  	[sflag:s7] =	ssyncset.done $0x0  }
0xce: {  	s0 =	rddreg [dreg:$0x3];
	[sflag:s7] =	ssyncadd.s32 $0xFFFFF800  }
0xcf: {  	[hbm4b:s0+s2] =	stream.linear.scatter [tilespmem:s4], [sflag:$0x2], $0xF000, $0x38;
	[tilespmem:$0xFF00] =	vst v63  }
0xd0: {  	_ =	swait.ge [sflag:s3], $0xF000  }
0xd1: {  	[sflag:s3] =	ssyncset.done $0x0  }
0xd2: {  	s13 =	rddreg [dreg:$0x2];
	[sflag:s3] =	ssyncadd.s32 $0xFFFF1000  }
0xd3: {  	[tilespmem:s2], [sflag:$0x2] =	stream.linear.gather [hbm4b:s13+s2], $0xF00, $0x38;
	[tilespmem:$0xFF00] =	vst v63  }
0xd4: {  	_ =	swait.ge [sflag:s3], $0xF00  }
0xd5: {  	s0 =	rddreg [dreg:$0x7]  }
0xd6: {  	s8 =	rddreg [dreg:$0x10]  }
0xd7: {  	s9 =	rddreg [dreg:$0xa]  }
0xd8: {  	s10 =	rddreg [dreg:$0x8]  }
0xd9: {  	s11 =	rddreg [dreg:$0xc]  }
0xda: {  	s12 =	rddreg [dreg:$0x5]  }
0xdb: {  	[sflag:s3] =	ssyncset.done $0x0;
	s13 =	rddreg [dreg:$0x4]  }
0xdc: {  	s14 =	rddreg [dreg:$0x6];
	[sflag:s3] =	ssyncadd.s32 $0xFFFFF100  }
0xdd: {  	[tilespmem:s4], [sflag:$0x1] =	stream.indirect.gather [hbm4b:s5+s6], $0x10, s2, s6, $0xb8;
	[tilespmem:$0xFF00] =	vst v63  }
0xde: {  	s15 =	rddreg [dreg:$0x9]  }
0xdf: {  	[tilespmem:s13], [sflag:$0x1] =	stream.indirect.gather [hbm4b:s5+s6], $0x10, s6, s6, $0xb8;
	[tilespmem:$0xFF00] =	vst v63  }
0xe0: {  	s16 =	rddreg [dreg:$0xb]  }
0xe1: {  	[tilespmem:s14], [sflag:$0x1] =	stream.indirect.gather [hbm4b:s5+s6], $0x10, s12, s6, $0xb8;
	[tilespmem:$0xFF00] =	vst v63  }
0xe2: {  	s13 =	rddreg [dreg:$0xe]  }
0xe3: {  	[tilespmem:s10], [sflag:$0x1] =	stream.indirect.gather [hbm4b:s5+s6], $0x10, s0, s6, $0xb8;
	[tilespmem:$0xFF00] =	vst v63  }
0xe4: {  	s12 =	rddreg [dreg:$0xd]  }
0xe5: {  	[tilespmem:s9], [sflag:$0x1] =	stream.indirect.gather [hbm4b:s5+s6], $0x10, s15, s6, $0xb8;
	[tilespmem:$0xFF00] =	vst v63  }
0xe6: {  	s14 =	rddreg [dreg:$0xf]  }
0xe7: {  	[tilespmem:s11], [sflag:$0x1] =	stream.indirect.gather [hbm4b:s5+s6], $0x10, s16, s6, $0xb8;
	[tilespmem:$0xFF00] =	vst v63  }
0xe8: {  	s10 =	rddreg [dreg:$0x12]  }
0xe9: {  	[tilespmem:s13], [sflag:$0x1] =	stream.indirect.gather [hbm4b:s5+s6], $0x10, s12, s6, $0xb8;
	[tilespmem:$0xFF00] =	vst v63  }
0xea: {  	s11 =	rddreg [dreg:$0x11]  }
0xeb: {  	[tilespmem:s8], [sflag:$0x1] =	stream.indirect.gather [hbm4b:s5+s6], $0x10, s14, s6, $0xb8;
	[tilespmem:$0xFF00] =	vst v63  }
0xec: {  	s12 =	rddreg [dreg:$0x13]  }
0xed: {  	[tilespmem:s10], [sflag:$0x1] =	stream.indirect.gather [hbm4b:s5+s6], $0x10, s11, s6, $0xb8;
	[tilespmem:$0xFF00] =	vst v63  }
0xee: {  	s13 =	rddreg [dreg:$0x14]  }
0xef: {  	[tilespmem:s13], [sflag:$0x1] =	stream.indirect.gather [hbm4b:s5+s6], $0x10, s12, s6, $0xb8;
	[tilespmem:$0xFF00] =	vst v63  }
0xf0: {  	_ =	swait.ge [sflag:s7], $0x800  }
0xf1: {  	[sflag:s7] =	ssyncset.done $0x0  }
0xf2: {  	[sflag:s7] =	ssyncadd.s32 $0xFFFFF800  }
0xf3: {  	_ =	swait.ge [sflag:s7], $0x800  }
0xf4: {  	[sflag:s7] =	ssyncset.done $0x0  }
0xf5: {  	[sflag:s7] =	ssyncadd.s32 $0xFFFFF800  }
0xf6: {  	_ =	swait.ge [sflag:s7], $0x800  }
0xf7: {  	[sflag:s7] =	ssyncset.done $0x0  }
0xf8: {  	[sflag:s7] =	ssyncadd.s32 $0xFFFFF800  }
0xf9: {  	_ =	swait.ge [sflag:s7], $0x800  }
0xfa: {  	[sflag:s7] =	ssyncset.done $0x0  }
0xfb: {  	[sflag:s7] =	ssyncadd.s32 $0xFFFFF800  }
0xfc: {  	_ =	swait.ge [sflag:s7], $0x800  }
0xfd: {  	[sflag:s7] =	ssyncset.done $0x0  }
0xfe: {  	[sflag:s7] =	ssyncadd.s32 $0xFFFFF800  }
0xff: {  	_ =	swait.ge [sflag:s7], $0x800  }
0x100: {  	[sflag:s7] =	ssyncset.done $0x0  }
0x101: {  	[sflag:s7] =	ssyncadd.s32 $0xFFFFF800  }
0x102: {  	_ =	swait.ge [sflag:s7], $0x800  }
0x103: {  	[sflag:s7] =	ssyncset.done $0x0  }
0x104: {  	[sflag:s7] =	ssyncadd.s32 $0xFFFFF800  }
0x105: {  	_ =	swait.ge [sflag:s7], $0x800  }
0x106: {  	[sflag:s7] =	ssyncset.done $0x0  }
0x107: {  	[sflag:s7] =	ssyncadd.s32 $0xFFFFF800  }
0x108: {  	_ =	swait.ge [sflag:s7], $0x800  }
0x109: {  	[sflag:s7] =	ssyncset.done $0x0  }
0x10a: {  	[sflag:s7] =	ssyncadd.s32 $0xFFFFF800  }
0x10b: {  	_ =	swait.ge [sflag:s7], $0x800  }
0x10c: {  	s0 =	rddreg [dreg:$0x19]  }
0x10d: {  	s8 =	sld [smem:$0x7F8]  }
0x10e: {  	s9 =	sld [smem:$0x7F9]  }
0x10f: {  	s10 =	rddreg [dreg:$0x18]  }
0x110: {  	s11 =	rddreg [dreg:$0x17]  }
0x111: {  	s12 =	rddreg [dreg:$0x1a]  }
0x112: {  	s13 =	rddreg [dreg:$0x15]  }
0x113: {  	s14 =	rddreg [dreg:$0x16]  }
0x114: {  	[sflag:s7] =	ssyncset.done $0x0;
	s15 =	rddreg [dreg:$0x1e]  }
0x115: {  	s16 =	rddreg [dreg:$0x1c];
	[sflag:s7] =	ssyncadd.s32 $0xFFFFF800  }
0x116: {  	[tilespmem:s14], [sflag:$0x1] =	stream.indirect.gather [hbm4b:s5+s6], $0x10, s13, s6, $0xb8;
	[tilespmem:$0xFF00] =	vst v63  }
0x117: {  	s13 =	rddreg [dreg:$0x1b]  }
0x118: {  	[tilespmem:s10], [sflag:$0x1] =	stream.indirect.gather [hbm4b:s5+s6], $0x10, s11, s6, $0xb8;
	[tilespmem:$0xFF00] =	vst v63  }
0x119: {  	s14 =	rddreg [dreg:$0x1d]  }
0x11a: {  	[tilespmem:s12], [sflag:$0x1] =	stream.indirect.gather [hbm4b:s5+s6], $0x10, s0, s6, $0xb8;
	[tilespmem:$0xFF00] =	vst v63  }
0x11b: {  	s11 =	rddreg [dreg:$0x1f]  }
0x11c: {  	[tilespmem:s16], [sflag:$0x1] =	stream.indirect.gather [hbm4b:s5+s6], $0x10, s13, s6, $0xb8;
	[tilespmem:$0xFF00] =	vst v63  }
0x11d: {  	s12 =	sld [smem:$0x7FA]  }
0x11e: {  	[tilespmem:s15], [sflag:$0x1] =	stream.indirect.gather [hbm4b:s5+s6], $0x10, s14, s6, $0xb8;
	[tilespmem:$0xFF00] =	vst v63  }
0x11f: {  	s13 =	sld [smem:$0x7FB]  }
0x120: {  	[tilespmem:s8], [sflag:$0x1] =	stream.indirect.gather [hbm4b:s5+s6], $0x10, s11, s6, $0xb8;
	[tilespmem:$0xFF00] =	vst v63  }
0x121: {  	s14 =	sld [smem:$0x7FC]  }
0x122: {  	[tilespmem:s9], [sflag:$0x1] =	stream.indirect.gather [hbm4b:s5+s6], $0x10, s12, s6, $0xb8;
	[tilespmem:$0xFF00] =	vst v63  }
0x123: {  	s15 =	sld [smem:$0x7FD]  }
0x124: {  	[tilespmem:s14], [sflag:$0x1] =	stream.indirect.gather [hbm4b:s5+s6], $0x10, s13, s6, $0xb8;
	[tilespmem:$0xFF00] =	vst v63  }
0x125: {  	s16 =	simm.s32 $0x9F00  }
0x126: {  	[tilespmem:s16], [sflag:$0x1] =	stream.indirect.gather [hbm4b:s5+s6], $0x10, s15, s6, $0xb8;
	[tilespmem:$0xFF00] =	vst v63  }
0x127: {  	s10 =	simm.s32 $0xA700;
	s9 =	simm.s32 $0x980  }
0x128: {  	[tilespmem:s10], [sflag:$0x1] =	stream.indirect.gather [hbm4b:s5+s6], $0x10, s9, s6, $0xb8;
	[tilespmem:$0xFF00] =	vst v63  }
0x129: {  	_ =	swait.ge [sflag:s7], $0x800  }
0x12a: {  	[sflag:s7] =	ssyncset.done $0x0  }
0x12b: {  	[sflag:s7] =	ssyncadd.s32 $0xFFFFF800  }
0x12c: {  	_ =	swait.ge [sflag:s7], $0x800  }
0x12d: {  	[sflag:s7] =	ssyncset.done $0x0  }
0x12e: {  	[sflag:s7] =	ssyncadd.s32 $0xFFFFF800  }
0x12f: {  	_ =	swait.ge [sflag:s7], $0x800  }
0x130: {  	[sflag:s7] =	ssyncset.done $0x0  }
0x131: {  	[sflag:s7] =	ssyncadd.s32 $0xFFFFF800  }
0x132: {  	_ =	swait.ge [sflag:s7], $0x800  }
0x133: {  	[sflag:s7] =	ssyncset.done $0x0  }
0x134: {  	[sflag:s7] =	ssyncadd.s32 $0xFFFFF800  }
0x135: {  	_ =	swait.ge [sflag:s7], $0x800  }
0x136: {  	[sflag:s7] =	ssyncset.done $0x0  }
0x137: {  	[sflag:s7] =	ssyncadd.s32 $0xFFFFF800  }
0x138: {  	_ =	swait.ge [sflag:s7], $0x800  }
0x139: {  	[sflag:s7] =	ssyncset.done $0x0  }
0x13a: {  	[sflag:s7] =	ssyncadd.s32 $0xFFFFF800  }
0x13b: {  	_ =	swait.ge [sflag:s7], $0x800  }
0x13c: {  	[sflag:s7] =	ssyncset.done $0x0  }
0x13d: {  	[sflag:s7] =	ssyncadd.s32 $0xFFFFF800  }
0x13e: {  	_ =	swait.ge [sflag:s7], $0x800  }
0x13f: {  	[sflag:s7] =	ssyncset.done $0x0  }
0x140: {  	[sflag:s7] =	ssyncadd.s32 $0xFFFFF800  }
0x141: {  	_ =	swait.ge [sflag:s7], $0x800  }
0x142: {  	[sflag:s7] =	ssyncset.done $0x0  }
0x143: {  	[sflag:s7] =	ssyncadd.s32 $0xFFFFF800  }
0x144: {  	_ =	swait.ge [sflag:s7], $0x800  }
0x145: {  	[sflag:s7] =	ssyncset.done $0x0  }
0x146: {  	s11 =	simm.s32 $0xA00;
	s12 =	simm.s32 $0xAF00;
	[sflag:s7] =	ssyncadd.s32 $0xFFFFF800  }
0x147: {  	[tilespmem:s12], [sflag:$0x1] =	stream.indirect.gather [hbm4b:s5+s6], $0x10, s11, s6, $0xb8;
	[tilespmem:$0xFF00] =	vst v63  }
0x148: {  	s13 =	simm.s32 $0xA80;
	s14 =	simm.s32 $0xB700  }
0x149: {  	[tilespmem:s14], [sflag:$0x1] =	stream.indirect.gather [hbm4b:s5+s6], $0x10, s13, s6, $0xb8;
	[tilespmem:$0xFF00] =	vst v63  }
0x14a: {  	s15 =	simm.s32 $0xB00;
	s16 =	simm.s32 $0xBF00  }
0x14b: {  	[tilespmem:s16], [sflag:$0x1] =	stream.indirect.gather [hbm4b:s5+s6], $0x10, s15, s6, $0xb8;
	[tilespmem:$0xFF00] =	vst v63  }
0x14c: {  	_ = 	snop  }
0x14d: {  	[tilespmem:s18], [sflag:$0x1] =	stream.indirect.gather [hbm4b:s5+s6], $0x10, s17, s6, $0xb8;
	[tilespmem:$0xFF00] =	vst v63  }
0x14e: {  	_ = 	snop  }
0x14f: {  	[tilespmem:s20], [sflag:$0x1] =	stream.indirect.gather [hbm4b:s5+s6], $0x10, s19, s6, $0xb8;
	[tilespmem:$0xFF00] =	vst v63  }
0x150: {  	_ = 	snop  }
0x151: {  	[tilespmem:s22], [sflag:$0x1] =	stream.indirect.gather [hbm4b:s5+s6], $0x10, s21, s6, $0xb8;
	[tilespmem:$0xFF00] =	vst v63  }
0x152: {  	_ = 	snop  }
0x153: {  	[tilespmem:s24], [sflag:$0x1] =	stream.indirect.gather [hbm4b:s5+s6], $0x10, s23, s6, $0xb8;
	[tilespmem:$0xFF00] =	vst v63  }
0x154: {  	_ = 	snop  }
0x155: {  	[tilespmem:s26], [sflag:$0x1] =	stream.indirect.gather [hbm4b:s5+s6], $0x10, s25, s6, $0xb8;
	[tilespmem:$0xFF00] =	vst v63  }
0x156: {  	_ = 	snop  }
0x157: {  	[tilespmem:s29], [sflag:$0x1] =	stream.indirect.gather [hbm4b:s5+s6], $0x10, s28, s6, $0xb8;
	[tilespmem:$0xFF00] =	vst v63  }
0x158: {  	_ = 	snop  }
0x159: {  	[tilespmem:s31], [sflag:$0x1] =	stream.indirect.gather [hbm4b:s5+s6], $0x10, s30, s6, $0xb8;
	[tilespmem:$0xFF00] =	vst v63  }
0x15a: {  	_ =	swait.ge [sflag:s7], $0x800  }
0x15b: {  	[sflag:s7] =	ssyncset.done $0x0  }
0x15c: {  	[sflag:s7] =	ssyncadd.s32 $0xFFFFF800  }
0x15d: {  	_ =	swait.ge [sflag:s7], $0x800  }
0x15e: {  	[sflag:s7] =	ssyncset.done $0x0  }
0x15f: {  	[sflag:s7] =	ssyncadd.s32 $0xFFFFF800  }
0x160: {  	_ =	swait.ge [sflag:s7], $0x800  }
0x161: {  	[sflag:s7] =	ssyncset.done $0x0  }
0x162: {  	[sflag:s7] =	ssyncadd.s32 $0xFFFFF800  }
0x163: {  	_ =	swait.ge [sflag:s7], $0x800  }
0x164: {  	[sflag:s7] =	ssyncset.done $0x0  }
0x165: {  	[sflag:s7] =	ssyncadd.s32 $0xFFFFF800  }
0x166: {  	_ =	swait.ge [sflag:s7], $0x800  }
0x167: {  	p0 =	sne.s32 s1, $0x1;
	[sflag:s7] =	ssyncset.done $0x0  }
.Ltmp1:
0x168: {  	[sflag:s7] =	ssyncadd.s32 $0xFFFFF800;
	(pc) =	sbr.rel @p0 .LBB2_1-.Ltmp1, $4  }
0x169: {  	_ =	swait.ge [sflag:s7], $0x800  }
0x16a: {  	[sflag:s7] =	ssyncset.done $0x0  }
0x16b: {  	[sflag:s7] =	ssyncadd.s32 $0xFFFFF800  }
0x16c: {  	s1 =	sadd.s32 $0xFFFFFFFF, s1;
	_ =	swait.ge [sflag:s7], $0x800  }
.LBB2_2:
0x16d: {  	[sflag:s7] =	ssyncset.done $0x0  }
0x16e: {  	[sflag:s7] =	ssyncadd.s32 $0xFFFFF800  }
0x16f: {  	_ =	swait.ge [sflag:s7], $0x800  }
0x170: {  	[sflag:s7] =	ssyncset.done $0x0  }
0x171: {  	[sflag:s7] =	ssyncadd.s32 $0xFFFFF800  }
0x172: {  	_ =	swait.ge [sflag:s7], $0x800  }
0x173: {  	[sflag:s7] =	ssyncset.done $0x0  }
0x174: {  	[sflag:s7] =	ssyncadd.s32 $0xFFFFF800  }
0x175: {  	_ =	swait.ge [sflag:s7], $0x800  }
0x176: {  	[sflag:s7] =	ssyncset.done $0x0  }
0x177: {  	s0 =	rddreg [dreg:$0x3];
	[sflag:s7] =	ssyncadd.s32 $0xFFFFF800  }
0x178: {  	[hbm4b:s0+s2] =	stream.linear.scatter [tilespmem:s4], [sflag:$0x2], $0xF000, $0x38;
	[tilespmem:$0xFF00] =	vst v63  }
0x179: {  	_ =	swait.ge [sflag:s3], $0xF000  }
0x17a: {  	[sflag:s3] =	ssyncset.done $0x0  }
0x17b: {  	[sflag:s3] =	ssyncadd.s32 $0xFFFF1000  }
0x17c: {  	_ =	sfence.sel $0x180000  }
0x17d: {  	[bflag:$0x0] =	sbarrier.arrive $0xFFFF  }
0x17e: {  	_ =	strace $0x90000047  }
0x17f: {  	s31 =	stileid.u32;
	[bflag:$0x2] =	sbarrier.arrive $0xFFFF  }
0x180: {  	p0 =	sne.s32 s31, $0x0;
	s0 =	rddreg [dreg:$0x1]  }
0x181: {  	s0 =	sadd.s32 @!p0 $0x100000, s0  }
0x182: {  	[sflag:s0] =	ssyncadd.tile.s32 @!p0 $0x1;
	_ =	shalt  }
.Lfunc_end2:
_tile_overlayer_lowered:
.L_overlay_start_2:
0x183: {  	(tag) =	ssettag $0x2  }
0x184: {  	s0 =	rddreg [dreg:$0x0];
	s2 =	stileid.u32  }
0x185: {  	s1 =	rddreg [dreg:$0x1];
	p0 =	sne.s32 s2, $0x0  }
0x186: {  	s3 =	rddreg [dreg:$0x2];
	[bflag:$0x3] =	sbarrier.arrive $0xFFFF;
	s2 =	simm.s32 @!p0 $0x1C02  }
0x187: {  	[timem:s3], [sflag:s2] =	dma.local @!p0 [hbm:s0], s1  }
0x188: {  	s0 =	simm.s32 @!p0 $0x2  }
0x189: {  	_ =	swait.ge @!p0 [sflag:s0], s1  }
0x18a: {  	s1 =	ssub.s32 @!p0 $0x0, s1;
	[sflag:s0] =	ssyncset.done @!p0 $0x0  }
0x18b: {  	[sflag:s0] =	ssyncadd.s32 @!p0 s1  }
0x18c: {  	[bflag:$0x3] =	sbarrier.arrive $0xFFFF  }
0x18d: {  	_ =	shalt  }

// kernel: sparse-core-data-format-call.cloned.1.call-start
scs
called_computation_lowered:
.L_overlay_start_0:
0x0: {  	s2 =	sld [smem:$0x3FD9]  }
0x1: {  	s3 =	sld [smem:$0x3FFE];
	_ =	sdelay $0x1  }
0x2: {  	s1 =	srdreg.scid  }
0x3: {  	s0 =	sand.u32 $0x1, s1  }
0x4: {  	s18 =	sshll.u32 s0, $0xA;
	s2 =	sadd.s32 s3, s2  }
0x5: {  	s2 =	sadd.s32 s2, s18  }
0x6: {  	[smem:$0x3FBF] =	sst s2  }
0x7: {  	_ = 	snop  }
0x8: {  	s2 =	sld [smem:$0x3FD0];
	(tm) =	ssettm $0x1  }
0x9: {  	s19 =	sld [smem:$0x3FFB];
	_ =	sdelay $0x3  }
0xa: {  	_ =	strace s19  }
0xb: {  	s3 =	sld [smem:$0x3FFC];
	_ =	sdelay $0x3  }
0xc: {  	_ =	strace s3  }
0xd: {  	s3 =	sld [smem:$0x3FFD];
	_ =	sdelay $0x3  }
0xe: {  	_ =	strace s3  }
0xf: {  	_ =	strace $0x8FFFFFFF  }
0x10: {  	s20 =	sld [smem:$0x3FDB];
	_ =	sdelay $0x1  }
0x11: {  	s4 =	simm.s32 $_scs_section_size  }
0x12: {  	s5 =	simm.s32 $_size__tile_overlayer_lowered;
	s6 =	simm.s32 $_tile_overlayer_lowered  }
0x13: {  	s23 =	simm.s32 $0x1BFF;
	s22 =	sshll.u32 s6, $0x1;
	s3 =	sadd.s32 s4, s20  }
0x14: {  	s7 =	simm.s32 $0x0;
	s21 =	sshll.u32 s5, $0x1;
	s5 =	sadd.s32 s22, s3  }
0x15: {  	[timem:s7], [sflag:s23] =	dma.local [hbm:s5], s21  }
0x16: {  	_ =	swait.ge [sflag:s23], s21  }
0x17: {  	s4 =	ssub.s32 $0x0, s21;
	[sflag:s23] =	ssyncset.done $0x0  }
0x18: {  	[sflag:s23] =	ssyncadd.s32 s4;
	_ =	sdelay $0x1  }
0x19: {  	s24 =	simm.s32 $0x1B8B  }
0x1a: {  	_ =	swait.ge [sflag:s24], $0x1  }
0x1b: {  	[sflag:s24] =	ssyncset.done $0x0  }
0x1c: {  	s26 =	simm.s32 $0x1B8E;
	s25 =	sld [smem:$0x3FFE];
	[sflag:s24] =	ssyncadd.s32 $0xFFFFFFFF  }
0x1d: {  	s27 =	simm.s32 $execute0_lowered;
	[smem:$0x3FD2] =	sst s26  }
0x1e: {  	s5 =	sshll.u32 s27, $0x1;
	_ =	strace $0x80000049;
	[dreg:$0x1] =	wrdreg $0xFFFFFFFF  }
0x1f: {  	s28 =	simm.s32 $_size_execute0_lowered;
	s3 =	sadd.s32 s3, s5;
	[dreg:$0x0] =	wrdreg $0x0  }
0x20: {  	s5 =	sshll.u32 s28, $0x1;
	[dreg:$0x2] =	wrdreg s3  }
0x21: {  	[dreg:$0x3] =	wrdreg s5  }
0x22: {  	[dreg:$0x4] =	wrdreg $0xC0  }
0x23: {  	_ =	task [dreg:s7], $0x5FFFF  }
0x24: {  	[dreg:$0x1] =	wrdreg $0xFFFFFFFF  }
0x25: {  	[dreg:$0x0] =	wrdreg $0x60  }
0x26: {  	[dreg:$0x2] =	wrdreg s25  }
0x27: {  	[dreg:$0x3] =	wrdreg s2  }
0x28: {  	[dreg:$0x4] =	wrdreg $0x9  }
0x29: {  	_ =	task.clear_ibuf [dreg:s7], $0x5FFFF;
	_ =	strace $0x90000049  }
0x2a: {  	s29 =	simm.s32 $0x9;
	_ =	strace $0x8000004B  }
0x2b: {  	_ =	swait.ge [sflag:s29], $0x1  }
0x2c: {  	[sflag:s29] =	ssyncadd.s32 $0xFFFFFFFF  }
0x2d: {  	_ =	strace $0x9000004B  }
0x2e: {  	_ =	sfence  }
0x2f: {  	s30 =	sld [smem:$0x0];
	_ =	sdelay $0x2  }
0x30: {  	s31 =	sshll.u32 s1, $0xD;
	s1 =	sshrl.u32 s1, $0x2  }
0x31: {  	s3 =	sand.u32 $0x4000, s31;
	s1 =	sadd.s32 s1, s30  }
0x32: {  	s0 =	sor.u32 s3, s0;
	s1 =	sshll.u32 s1, $0x11  }
0x33: {  	s0 =	sor.u32 s1, s0  }
0x34: {  	s0 =	sadd.s32 $0x8F2B, s0  }
0x35: {  	[sflag:s0] =	ssyncadd.remote.s32 $0x1  }
0x36: {  	_ =	sfence.sel $0xFFFF  }
0x37: {  	[dreg:$0x0] =	wrdreg $0xFFFFFFFF;
	(pc) =	sbr.abs _section_cstart, $3  }
0x38: {  	[dreg:$0x1] =	wrdreg $0xFFFFFFFF  }
0x39: {  	_ =	task.clear_ibuf [dreg:s7], $0x2FFFF;
	_ =	strace $0x9FFFFFFF  }
0x3a: {  	(tm) =	ssettm $0x7FFFFFFF  }
0x3b: {  	_ =	shalt  }
tec
execute0_lowered:
.L_overlay_start_1:
0x0: {  	(tag) =	ssettag $0x1  }
0x1: {  	s0 =	stileid.u32;
	s1 =	srdreg.scid  }
0x2: {  	s5 =	rddreg [dreg:$0x0];
	s2 =	sshll.u32 s0, $0x4;
	s1 =	sshll.u32 s1, $0x8  }
0x3: {  	s3 =	rddreg [dreg:$0x1];
	s6 =	simm.s32 $0x1;
	s1 =	sor.u32 s2, s1  }
0x4: {  	s8 =	simm.s32 $0x2;
	s15 =	simm.s32 $0x0;
	s2 =	sand.u32 $0x1C0, s1  }
0x5: {  	s9 =	simm.s32 $0x2000;
	s10 =	simm.s32 $0x20000;
	s4 =	ssub.s32 $0x400, s2  }
0x6: {  	s16 =	simm.s32 $0x0;
	s17 =	simm.s32 $0x0;
	s31 =	sand.u32 $0x1C0, s4  }
0x7: {  	s11 =	simm.s32 $0x0;
	s7 =	sand.u32 $0x3, s0;
	p0 =	sne.s32 s31, $0x0  }
.Ltmp0:
0x8: {  	s4 =	sshrl.u32 s4, $0x9;
	s6 =	simm.s32 @!p0 $0x0;
	(pc) =	sbr.rel .LBB1_1-.Ltmp0, $4  }
0x9: {  	s1 =	rddreg [dreg:$0x2];
	_ =	strace $0x8000004A;
	s6 =	sadd.s32 s6, s4  }
0xa: {  	s4 =	sadd.s32 $0x1200, s5;
	s5 =	simm.s32 $0x1;
	s6 =	smul.u32 $0xF, s6  }
0xb: {  	s14 =	simm.s32 $0x0;
	s13 =	smov.u32 s7;
	[sflag:s5] =	ssyncpa.u1 $0x0  }
0xc: {  	s12 =	smov.u32 s2;
	[sflag:s8] =	ssyncpa.u1 $0x0;
	s8 =	sadd.s32 $0x1, s6  }
.LBB1_7:
0xd: {  	s18 =	sadd.s32 $0x2, s11  }
0xe: {  	s15 =	sadd.s32 $0x200, s12;
	s19 =	smov.u32 s12;
	p1 =	sgt.s32 s18, $0x1D  }
0xf: {  	s19 =	smov.u32 @p1 s15  }
0x10: {  	s21 =	smov.u32 s13;
	s15 =	sadd.s32 $0x4, s13;
	p2 =	sgt.s32 s19, $0x3FF  }
0x11: {  	s21 =	smov.u32 @p2 s15  }
0x12: {  	s18 =	simm.s32 @p1 $0x0;
	p1 =	sgt.s32 s21, $0x3  }
0x13: {  	p0 =	slt.u32 s14, $0x2;
	s21 =	smov.u32 @p1 s7;
	p1 =	sne.s32 s14, s8  }
.Ltmp1:
0x14: {  	s20 =	simm.s32 @!p0 $0x2;
	(pc) =	sbr.rel @!p1 .LBB1_8-.Ltmp1, $4  }
0x15: {  	s16 =	smov.u32 s12;
	_ =	swait.ge @!p0 [sflag:s20], $0x4000  }
0x16: {  	s17 =	smov.u32 s13;
	[sflag:s20] =	ssyncset.done @!p0 $0x0;
	s19 =	smov.u32 @p2 s2  }
0x17: {  	s15 =	smov.u32 s11;
	[sflag:s20] =	ssyncadd.s32 @!p0 $0xFFFFC000;
	s11 =	smov.u32 s18  }
0x18: {  	s12 =	smov.u32 s19;
	s14 =	sadd.s32 $0x1, s14;
	s13 =	smov.u32 s21  }
.LBB1_1:
0x19: {  	p0 =	sge.u32 s14, s6;
	s31 =	sadd.s32 $0xFFFFFFFF, s14  }
0x1a: {  	s18 =	sxor.u32 @!p0 $0xFFFFFFFF, s14;
	s19 =	sshll.u32 @!p0 s13, $0x13;
	s20 =	sshll.u32 @!p0 s12, $0x9  }
0x1b: {  	s21 =	sshll.u32 @!p0 s11, $0x4;
	s18 =	sshll.u32 @!p0 s18, $0xE;
	s19 =	sadd.s32 @!p0 s4, s19  }
0x1c: {  	s21 =	sand.u32 @!p0 $0x1F0, s21;
	s18 =	sand.u32 @!p0 $0x4000, s18;
	s19 =	sadd.s32 @!p0 s20, s19  }
0x1d: {  	s20 =	simm.s32 @!p0 $0x100;
	s19 =	sadd.s32 @!p0 s21, s19;
	s21 =	simm.s32 @!p0 $0x1000  }
0x1e: {  	[tilespmem:s18], [sflag:$0x1] =	stream.strided.gather @!p0 [hbm4b:s19+s20], $0x4000, s21, s20, $0x38;
	[tilespmem:$0x10000] =	vst v63  }
0x1f: {  	p0 =	sge.u32 s31, s6  }
.Ltmp2:
0x20: {  	_ = 	snop;
	(pc) =	sbr.rel @p0 .LBB1_7-.Ltmp2, $1  }
0x21: {  	_ =	sdelay $0x3  }
0x22: {  	_ =	swait.ge [sflag:s5], $0x4000;
	s18 =	sshll.u32 s14, $0xE  }
0x23: {  	[sflag:s5] =	ssyncset.done $0x0;
	s19 =	sand.u32 $0x4000, s18  }
0x24: {  	s20 =	simm.s32 $0x0;
	[sflag:s5] =	ssyncadd.s32 $0xFFFFC000;
	s18 =	sor.u32 $0x8000, s19  }
.LBB1_3:
0x25: {  	s21 =	sshll.u32 s20, $0x8  }
0x26: {  	s21 =	sand.u32 $0x3FFFFF00, s21  }
0x27: {  	s22 =	sshll.u32 s20, $0x7;
	s21 =	sadd.s32 s21, s19  }
0x28: {  	s22 =	sand.u32 $0x3FFFFF80, s22;
	v0 =	vmov s21  }
0x29: {  	s22 =	sadd.s32 s22, s18  }
0x2a: {  	p0 =	por $0x1, $0x1;
	v1 =	vmov s22;
	s21 =	simm.s32 $0x0  }
.LBB1_4:
0x2b: {  	s22 =	sshll.u32 s21, $0x7  }
0x2c: {  	s22 =	sand.u32 $0x3FFFFF80, s22  }
0x2d: {  	v2 =	vld.idx.msk [tilespmem:v0+s22+$0x0 ss:$0x1], $0xffff  }
0x2e: {  	v3 =	vld.idx.msk [tilespmem:v0+s22+$0x10 ss:$0x1], $0xffff  }
0x2f: {  	v4 =	vld.idx.msk [tilespmem:v0+s22+$0x20 ss:$0x1], $0xffff  }
0x30: {  	s31 =	sshll.u32 s21, $0xD;
	v5 =	vld.idx.msk [tilespmem:v0+s22+$0x30 ss:$0x1], $0xffff  }
0x31: {  	s21 =	sand.u32 $0x3FFFE000, s31;
	v6 =	vld.idx.msk [tilespmem:v0+s22+$0x40 ss:$0x1], $0xffff  }
0x32: {  	v63 =	vld.idx.msk [tilespmem:v0+s22+$0x70 ss:$0x1], $0xffff;
	[tilespmem:v1+s21+$0x0 ss:$0x1] =	vst.idx.msk $0xffff, v2  }
0x33: {  	v2 =	vld.idx.msk [tilespmem:v0+s22+$0x50 ss:$0x1], $0xffff;
	[tilespmem:v1+s21+$0x10 ss:$0x1] =	vst.idx.msk $0xffff, v3  }
0x34: {  	p1 =	por p0, p0;
	v3 =	vld.idx.msk [tilespmem:v0+s22+$0x60 ss:$0x1], $0xffff;
	[tilespmem:v1+s21+$0x20 ss:$0x1] =	vst.idx.msk $0xffff, v4  }
.Ltmp3:
0x35: {  	[tilespmem:v1+s21+$0x30 ss:$0x1] =	vst.idx.msk $0xffff, v5;
	(pc) =	sbr.rel @p1 .LBB1_4-.Ltmp3, $4  }
0x36: {  	[tilespmem:v1+s21+$0x40 ss:$0x1] =	vst.idx.msk $0xffff, v6  }
0x37: {  	[tilespmem:v1+s21+$0x70 ss:$0x1] =	vst.idx.msk $0xffff, v63  }
0x38: {  	[tilespmem:v1+s21+$0x50 ss:$0x1] =	vst.idx.msk $0xffff, v2  }
0x39: {  	p0 =	por $0x0, $0x0;
	[tilespmem:v1+s21+$0x60 ss:$0x1] =	vst.idx.msk $0xffff, v3;
	s21 =	simm.s32 $0x1  }
0x3a: {  	s20 =	sadd.s32 $0x1, s20  }
0x3b: {  	p0 =	sne.s32 s20, $0x40  }
.Ltmp4:
0x3c: {  	_ = 	snop;
	(pc) =	sbr.rel @p0 .LBB1_3-.Ltmp4, $1  }
0x3d: {  	_ =	sdelay $0x3  }
0x3e: {  	s17 =	smul.u32 $0x78000, s17  }
.Ltmp5:
0x3f: {  	_ = 	snop;
	(pc) =	sbr.rel .LBB1_7-.Ltmp5, $4  }
0x40: {  	s15 =	sshll.u32 s15, $0xE;
	s16 =	sshll.u32 s16, $0x4;
	s17 =	sadd.s32 s3, s17  }
0x41: {  	s16 =	sand.u32 $0x3FF0, s16;
	s15 =	sadd.s32 s15, s17  }
0x42: {  	s15 =	sadd.s32 s16, s15  }
0x43: {  	[hbm4b:s15+s9] =	stream.strided.scatter [tilespmem:s18], [sflag:$0x2], $0x4000, s10, s9, $0x38;
	[tilespmem:$0x10000] =	vst v63  }
.LBB1_8:
0x44: {  	_ =	sfence.sel $0x180000  }
0x45: {  	s2 =	simm.s32 $0x1;
	[bflag:$0x0] =	sbarrier.arrive $0xFFFF  }
0x46: {  	s31 =	simm.s32 $0x2;
	[sflag:s2] =	ssyncpa.u1 $0x1  }
0x47: {  	[sflag:s31] =	ssyncpa.u1 $0x1  }
0x48: {  	p0 =	sne.s32 s0, $0x0;
	_ =	strace $0x9000004A  }
0x49: {  	s0 =	sadd.s32 @!p0 $0x100000, s1;
	[bflag:$0x2] =	sbarrier.arrive $0xFFFF  }
0x4a: {  	[sflag:s0] =	ssyncadd.tile.s32 @!p0 $0x1;
	_ =	shalt  }
.Lfunc_end1:
_tile_overlayer_lowered:
.L_overlay_start_2:
0x4b: {  	(tag) =	ssettag $0x2  }
0x4c: {  	s0 =	rddreg [dreg:$0x0];
	s2 =	stileid.u32  }
0x4d: {  	s1 =	rddreg [dreg:$0x1];
	p0 =	sne.s32 s2, $0x0  }
0x4e: {  	s3 =	rddreg [dreg:$0x2];
	[bflag:$0x3] =	sbarrier.arrive $0xFFFF;
	s2 =	simm.s32 @!p0 $0x1C01  }
0x4f: {  	[timem:s3], [sflag:s2] =	dma.local @!p0 [hbm:s0], s1  }
0x50: {  	s0 =	simm.s32 @!p0 $0x1  }
0x51: {  	_ =	swait.ge @!p0 [sflag:s0], s1  }
0x52: {  	s1 =	ssub.s32 @!p0 $0x0, s1;
	[sflag:s0] =	ssyncset.done @!p0 $0x0  }
0x53: {  	[sflag:s0] =	ssyncadd.s32 @!p0 s1  }
0x54: {  	[bflag:$0x3] =	sbarrier.arrive $0xFFFF  }
0x55: {  	_ =	shalt  }

</sc_bundles>
